<compile_context>
chip_gen: v7x
topology: tpu7x:2x2x1
jax: 0.10.2.dev20260603
libtpu: 0.0.44.dev20260713+nightly
codegen_flags: <defaults>
</compile_context>

<pallas_src>
import functools

import jax
import jax.numpy as jnp
from jax import lax
from jax.experimental import pallas as pl
from jax.experimental.pallas import tpu as pltpu
from jax.experimental.pallas import tpu_sc as plsc

_K = 8192
_D = 32
_COMMIT = 0.25
_M = 1024
_H = _K // 2
_N = 32768
_CW = 256


def _sumsq_tree(x2, axis):
    if axis == 1:
        u = ((x2[:, 0:8] + x2[:, 8:16]) + x2[:, 16:24]) + x2[:, 24:32]
        v = u[:, 0:4] + u[:, 4:8]
        w = v[:, 0:2] + v[:, 2:4]
        return w[:, 0:1] + w[:, 1:2]
    else:
        u = ((x2[0:8, :] + x2[8:16, :]) + x2[16:24, :]) + x2[24:32, :]
        v = u[0:4, :] + u[4:8, :]
        w = v[0:2, :] + v[2:4, :]
        return w[0:1, :] + w[1:2, :]


def _argmin_block(f_ref, wt_ref, idx_ref, wsq_ref):
    b = pl.program_id(0)

    @pl.when(b == 0)
    def _init():
        wt0 = wt_ref[...]
        wsq_ref[...] = _sumsq_tree(wt0 * wt0, axis=0)

    f = f_ref[...]
    fsq = _sumsq_tree(f * f, axis=1)
    f2 = f * 2.0

    def half_argmin(c_lo, c_hi):
        rv = jnp.full((_M, _CW), jnp.inf, jnp.float32)
        rt = jnp.zeros((_M, _CW), jnp.int32)
        for c in range(c_lo, c_hi):
            sl = pl.ds(c * _CW, _CW)
            mmc = jnp.dot(f2, wt_ref[:, sl], preferred_element_type=jnp.float32)
            dc = (fsq - mmc) + wsq_ref[:, sl]
            lt = dc < rv
            rv = jnp.where(lt, dc, rv)
            rt = jnp.where(lt, c, rt)
        m = jnp.min(rv, axis=1, keepdims=True)
        lane = lax.broadcasted_iota(jnp.int32, (_M, _CW), 1)
        idxc = rt * _CW + lane
        i = jnp.min(jnp.where(rv == m, idxc, _K), axis=1)
        return m[:, 0], i

    nch = _K // _CW
    m1c, i1 = half_argmin(0, nch // 2)
    m2c, i2 = half_argmin(nch // 2, nch)
    thr = m1c.astype(jnp.bfloat16).astype(jnp.float32)
    take2 = (m2c < thr) | ((m2c == thr) & (i2 < i1))
    idx = jnp.where(take2, i2, i1)
    idx_ref[...] = idx.reshape(1, 1, _M)


_SC_INFO = plsc.get_sparse_core_info()
_NW = _SC_INFO.num_cores * _SC_INFO.num_subcores
_BPW = _N // _NW


_DP = 128


_CH = _BPW // 2


def _sc_gather(table_hbm, idx_hbm, out_hbm, idx_v, rows_v, sem):
    wid = lax.axis_index("s") * _SC_INFO.num_cores + lax.axis_index("c")
    base = wid * _BPW
    for c in range(_BPW // _CH):
        lo = base + c * _CH
        pltpu.sync_copy(idx_hbm.at[pl.ds(lo, _CH)], idx_v)
        pltpu.async_copy(table_hbm.at[idx_v], rows_v, sem).wait()
        pltpu.sync_copy(rows_v, out_hbm.at[pl.ds(lo, _CH)])


def _st_loss_block(f_ref, zq_ref, zqst_ref, loss_ref, acc_ref):
    b = pl.program_id(0)

    @pl.when(b == 0)
    def _init():
        acc_ref[...] = jnp.zeros((1, 1), jnp.float32)

    f = f_ref[...]
    diff = zq_ref[...] - f
    zqst_ref[...] = f + diff
    acc_ref[...] += jnp.sum(diff * diff).reshape(1, 1)

    @pl.when(b == pl.num_programs(0) - 1)
    def _fin():
        loss_ref[...] = acc_ref[...]


def kernel(z, W):
    B, T, D = z.shape
    flat = z.reshape(-1, D)
    n = flat.shape[0]
    nb = n // _M
    wt = W.T

    idx3 = pl.pallas_call(
        _argmin_block,
        grid=(nb,),
        in_specs=[
            pl.BlockSpec((_M, D), lambda i: (i, 0)),
            pl.BlockSpec((D, _K), lambda i: (0, 0)),
        ],
        out_specs=pl.BlockSpec((1, 1, _M), lambda i: (i, 0, 0)),
        out_shape=jax.ShapeDtypeStruct((nb, 1, _M), jnp.int32),
        scratch_shapes=[pltpu.VMEM((1, _K), jnp.float32)],
    )(flat, wt)
    idx_flat = idx3.reshape(-1)

    gather = functools.partial(
        pl.kernel,
        mesh=plsc.VectorSubcoreMesh(core_axis_name="c", subcore_axis_name="s"),
        out_type=jax.ShapeDtypeStruct((n, D), jnp.float32),
        scratch_types=[
            pltpu.VMEM((_CH,), jnp.int32),
            pltpu.VMEM((_CH, D), jnp.float32),
            pltpu.SemaphoreType.DMA,
        ],
        compiler_params=pltpu.CompilerParams(use_tc_tiling_on_sc=False),
    )(_sc_gather)
    zq = gather(W, idx_flat)

    mrows = n // 8
    zqst, losssum = pl.pallas_call(
        _st_loss_block,
        grid=(8,),
        in_specs=[
            pl.BlockSpec((mrows, D), lambda i: (i, 0)),
            pl.BlockSpec((mrows, D), lambda i: (i, 0)),
        ],
        out_specs=[
            pl.BlockSpec((mrows, D), lambda i: (i, 0)),
            pl.BlockSpec((1, 1), lambda i: (0, 0)),
        ],
        out_shape=[
            jax.ShapeDtypeStruct((n, D), jnp.float32),
            jax.ShapeDtypeStruct((1, 1), jnp.float32),
        ],
        scratch_shapes=[pltpu.VMEM((1, 1), jnp.float32)],
    )(flat, zq)

    mean = losssum[0, 0] * (1.0 / (n * D))
    loss = mean + _COMMIT * mean
    return (zqst.reshape(z.shape), loss, idx3.reshape(B, T))

# --- scband reference (transcript-rebuilt; emitter-appended) ---
"""Pipeline reference for scband-vector-quantizer-15728170238286 (READ-ONLY COPY).

The authoritative reference and input builder live on the scoring server;
editing this copy changes nothing except your own understanding.
"""

import jax, jax.numpy as jnp
import numpy as np

K = 8192
D = 32
COMMIT = 0.25

def setup_inputs(seed: int = 0) -> dict:
    key = jax.random.key(seed)
    k1, k2 = jax.random.split(key)
    z = jax.random.normal(k1, (32, 1024, D), dtype=jnp.float32)
    W = jax.random.uniform(k2, (K, D), dtype=jnp.float32, minval=-1.0 / K, maxval=1.0 / K)
    return {"z": z, "W": W}

def reference(z, W):
    B = z.shape[0]
    flat = z.reshape(-1, D)
    dist = (jnp.sum(flat ** 2, axis=1, keepdims=True)
            - 2.0 * flat @ W.T
            + jnp.sum(W ** 2, axis=1))
    indices = jnp.argmin(dist, axis=1)
    z_q_flat = jnp.take(W, indices, axis=0)
    z_q = z_q_flat.reshape(z.shape)
    codebook_loss = jnp.mean((z_q - jax.lax.stop_gradient(z)) ** 2)
    commitment_loss = jnp.mean((z - jax.lax.stop_gradient(z_q)) ** 2)
    loss = codebook_loss + COMMIT * commitment_loss
    z_q_st = z + jax.lax.stop_gradient(z_q - z)
    return (z_q_st, loss, indices.reshape(B, -1))

if __name__ == "__main__":
    import jax
    _d = setup_inputs()
    print(jax.jit(kernel)(*tuple(_d.values())))

</pallas_src>

<mosaic_0001>
#map = affine_map<(d0, d1) -> (0, 0)>
#map1 = affine_map<(d0, d1) -> (0)>
module attributes {stable_mosaic.version = 14 : i64} {
  func.func @_sc_gather(%arg0: i32, %arg1: i32, %arg2: memref<8192x32xf32, #tpu.memory_space<hbm>>, %arg3: memref<32768xi32, #tpu.memory_space<hbm>>, %arg4: memref<32768x32xf32, #tpu.memory_space<hbm>>, %arg5: memref<512xi32, #tpu.memory_space<vmem>>, %arg6: memref<512x32xf32, #tpu.memory_space<vmem>>, %arg7: memref<!tpu.dma_semaphore, #tpu.memory_space<semaphore_mem>>) attributes {dimension_semantics = [#tpu.dimension_semantics<core_parallel>, #tpu.dimension_semantics<subcore_parallel>], iteration_bounds = array<i64: 2, 16>, scalar_prefetch = 0 : i64, scratch_operands = 3 : i64, tpu.core_type = #tpu.core_type<sc_vector_subcore>, window_params = [{transform_indices = #map}, {transform_indices = #map1}, {transform_indices = #map}]} {
    %mul3A = arith.constant 2 : i32
    %mul3A_0 = arith.muli %arg1, %mul3A : i32
    %add3A = arith.addi %mul3A_0, %arg0 : i32
    %mul3A_1 = arith.constant 1024 : i32
    %mul3A_2 = arith.muli %add3A, %mul3A_1 : i32
    %add3A_3 = arith.constant 0 : i32
    %add3A_4 = arith.addi %mul3A_2, %add3A_3 : i32
    "tpu.region"() ({
      %run_scoped3A = tpu.sem_alloc : memref<!tpu.dma_semaphore, #tpu.memory_space<semaphore_mem>>
      %dma_start3A_17 = tpu.memref_slice %arg3[%add3A_4] : memref<32768xi32, #tpu.memory_space<hbm>> -> memref<512xi32, #tpu.memory_space<hbm>>
      %dma_start3A_18 = tpu.memref_slice %arg3[%add3A_4] : memref<32768xi32, #tpu.memory_space<hbm>> -> memref<512xi32, #tpu.memory_space<hbm>>
      tpu.enqueue_dma source(%dma_start3A_18 : memref<512xi32, #tpu.memory_space<hbm>>) target(%arg5 : memref<512xi32, #tpu.memory_space<vmem>>) target_semaphore(%run_scoped3A : memref<!tpu.dma_semaphore, #tpu.memory_space<semaphore_mem>>)
      %dma_wait3A_19 = tpu.memref_slice %arg3[%add3A_4] : memref<32768xi32, #tpu.memory_space<hbm>> -> memref<512xi32, #tpu.memory_space<hbm>>
      %dma_wait3A_20 = tpu.memref_slice %arg3[%add3A_4] : memref<32768xi32, #tpu.memory_space<hbm>> -> memref<512xi32, #tpu.memory_space<hbm>>
      tpu.wait_dma2 semaphore(%run_scoped3A : memref<!tpu.dma_semaphore, #tpu.memory_space<semaphore_mem>>) src(%dma_wait3A_20 : memref<512xi32, #tpu.memory_space<hbm>>) dst(%arg5 : memref<512xi32, #tpu.memory_space<vmem>>)
      tpu.yield
    }) : () -> ()
    %dma_start3A = arith.constant 0 : i32
    %dma_start3A_5 = arith.constant 0 : i32
    %dma_start3A_6 = tpu.memref_slice %arg2[%dma_start3A, %dma_start3A_5] : memref<8192x32xf32, #tpu.memory_space<hbm>> -> memref<8192x32xf32, #tpu.memory_space<hbm>>
    tpu.enqueue_indirect_dma source(%dma_start3A_6 : memref<8192x32xf32, #tpu.memory_space<hbm>>) target(%arg6 : memref<512x32xf32, #tpu.memory_space<vmem>>) offsets(%arg5 : memref<512xi32, #tpu.memory_space<vmem>>) semaphore(%arg7 : memref<!tpu.dma_semaphore, #tpu.memory_space<semaphore_mem>>)
    %dma_wait3A = arith.constant 0 : i32
    %dma_wait3A_7 = arith.constant 0 : i32
    %dma_wait3A_8 = tpu.memref_slice %arg2[%dma_wait3A, %dma_wait3A_7] : memref<8192x32xf32, #tpu.memory_space<hbm>> -> memref<8192x32xf32, #tpu.memory_space<hbm>>
    tpu.wait_indirect_dma semaphore(%arg7 : memref<!tpu.dma_semaphore, #tpu.memory_space<semaphore_mem>>) src(%dma_wait3A_8 : memref<8192x32xf32, #tpu.memory_space<hbm>>) dst(%arg6 : memref<512x32xf32, #tpu.memory_space<vmem>>)
    "tpu.region"() ({
      %run_scoped3A = tpu.sem_alloc : memref<!tpu.dma_semaphore, #tpu.memory_space<semaphore_mem>>
      %dma_start3A_17 = arith.constant 0 : i32
      %dma_start3A_18 = tpu.memref_slice %arg4[%add3A_4, %dma_start3A_17] : memref<32768x32xf32, #tpu.memory_space<hbm>> -> memref<512x32xf32, #tpu.memory_space<hbm>>
      %dma_start3A_19 = arith.constant 0 : i32
      %dma_start3A_20 = tpu.memref_slice %arg4[%add3A_4, %dma_start3A_19] : memref<32768x32xf32, #tpu.memory_space<hbm>> -> memref<512x32xf32, #tpu.memory_space<hbm>>
      tpu.enqueue_dma source(%arg6 : memref<512x32xf32, #tpu.memory_space<vmem>>) target(%dma_start3A_20 : memref<512x32xf32, #tpu.memory_space<hbm>>) target_semaphore(%run_scoped3A : memref<!tpu.dma_semaphore, #tpu.memory_space<semaphore_mem>>)
      %dma_wait3A_21 = arith.constant 0 : i32
      %dma_wait3A_22 = tpu.memref_slice %arg4[%add3A_4, %dma_wait3A_21] : memref<32768x32xf32, #tpu.memory_space<hbm>> -> memref<512x32xf32, #tpu.memory_space<hbm>>
      %dma_wait3A_23 = arith.constant 0 : i32
      %dma_wait3A_24 = tpu.memref_slice %arg4[%add3A_4, %dma_wait3A_23] : memref<32768x32xf32, #tpu.memory_space<hbm>> -> memref<512x32xf32, #tpu.memory_space<hbm>>
      tpu.wait_dma2 semaphore(%run_scoped3A : memref<!tpu.dma_semaphore, #tpu.memory_space<semaphore_mem>>) src(%arg6 : memref<512x32xf32, #tpu.memory_space<vmem>>) dst(%dma_wait3A_24 : memref<512x32xf32, #tpu.memory_space<hbm>>)
      tpu.yield
    }) : () -> ()
    %add3A_9 = arith.constant 512 : i32
    %add3A_10 = arith.addi %mul3A_2, %add3A_9 : i32
    "tpu.region"() ({
      %run_scoped3A = tpu.sem_alloc : memref<!tpu.dma_semaphore, #tpu.memory_space<semaphore_mem>>
      %dma_start3A_17 = tpu.memref_slice %arg3[%add3A_10] : memref<32768xi32, #tpu.memory_space<hbm>> -> memref<512xi32, #tpu.memory_space<hbm>>
      %dma_start3A_18 = tpu.memref_slice %arg3[%add3A_10] : memref<32768xi32, #tpu.memory_space<hbm>> -> memref<512xi32, #tpu.memory_space<hbm>>
      tpu.enqueue_dma source(%dma_start3A_18 : memref<512xi32, #tpu.memory_space<hbm>>) target(%arg5 : memref<512xi32, #tpu.memory_space<vmem>>) target_semaphore(%run_scoped3A : memref<!tpu.dma_semaphore, #tpu.memory_space<semaphore_mem>>)
      %dma_wait3A_19 = tpu.memref_slice %arg3[%add3A_10] : memref<32768xi32, #tpu.memory_space<hbm>> -> memref<512xi32, #tpu.memory_space<hbm>>
      %dma_wait3A_20 = tpu.memref_slice %arg3[%add3A_10] : memref<32768xi32, #tpu.memory_space<hbm>> -> memref<512xi32, #tpu.memory_space<hbm>>
      tpu.wait_dma2 semaphore(%run_scoped3A : memref<!tpu.dma_semaphore, #tpu.memory_space<semaphore_mem>>) src(%dma_wait3A_20 : memref<512xi32, #tpu.memory_space<hbm>>) dst(%arg5 : memref<512xi32, #tpu.memory_space<vmem>>)
      tpu.yield
    }) : () -> ()
    %dma_start3A_11 = arith.constant 0 : i32
    %dma_start3A_12 = arith.constant 0 : i32
    %dma_start3A_13 = tpu.memref_slice %arg2[%dma_start3A_11, %dma_start3A_12] : memref<8192x32xf32, #tpu.memory_space<hbm>> -> memref<8192x32xf32, #tpu.memory_space<hbm>>
    tpu.enqueue_indirect_dma source(%dma_start3A_13 : memref<8192x32xf32, #tpu.memory_space<hbm>>) target(%arg6 : memref<512x32xf32, #tpu.memory_space<vmem>>) offsets(%arg5 : memref<512xi32, #tpu.memory_space<vmem>>) semaphore(%arg7 : memref<!tpu.dma_semaphore, #tpu.memory_space<semaphore_mem>>)
    %dma_wait3A_14 = arith.constant 0 : i32
    %dma_wait3A_15 = arith.constant 0 : i32
    %dma_wait3A_16 = tpu.memref_slice %arg2[%dma_wait3A_14, %dma_wait3A_15] : memref<8192x32xf32, #tpu.memory_space<hbm>> -> memref<8192x32xf32, #tpu.memory_space<hbm>>
    tpu.wait_indirect_dma semaphore(%arg7 : memref<!tpu.dma_semaphore, #tpu.memory_space<semaphore_mem>>) src(%dma_wait3A_16 : memref<8192x32xf32, #tpu.memory_space<hbm>>) dst(%arg6 : memref<512x32xf32, #tpu.memory_space<vmem>>)
    "tpu.region"() ({
      %run_scoped3A = tpu.sem_alloc : memref<!tpu.dma_semaphore, #tpu.memory_space<semaphore_mem>>
      %dma_start3A_17 = arith.constant 0 : i32
      %dma_start3A_18 = tpu.memref_slice %arg4[%add3A_10, %dma_start3A_17] : memref<32768x32xf32, #tpu.memory_space<hbm>> -> memref<512x32xf32, #tpu.memory_space<hbm>>
      %dma_start3A_19 = arith.constant 0 : i32
      %dma_start3A_20 = tpu.memref_slice %arg4[%add3A_10, %dma_start3A_19] : memref<32768x32xf32, #tpu.memory_space<hbm>> -> memref<512x32xf32, #tpu.memory_space<hbm>>
      tpu.enqueue_dma source(%arg6 : memref<512x32xf32, #tpu.memory_space<vmem>>) target(%dma_start3A_20 : memref<512x32xf32, #tpu.memory_space<hbm>>) target_semaphore(%run_scoped3A : memref<!tpu.dma_semaphore, #tpu.memory_space<semaphore_mem>>)
      %dma_wait3A_21 = arith.constant 0 : i32
      %dma_wait3A_22 = tpu.memref_slice %arg4[%add3A_10, %dma_wait3A_21] : memref<32768x32xf32, #tpu.memory_space<hbm>> -> memref<512x32xf32, #tpu.memory_space<hbm>>
      %dma_wait3A_23 = arith.constant 0 : i32
      %dma_wait3A_24 = tpu.memref_slice %arg4[%add3A_10, %dma_wait3A_23] : memref<32768x32xf32, #tpu.memory_space<hbm>> -> memref<512x32xf32, #tpu.memory_space<hbm>>
      tpu.wait_dma2 semaphore(%run_scoped3A : memref<!tpu.dma_semaphore, #tpu.memory_space<semaphore_mem>>) src(%arg6 : memref<512x32xf32, #tpu.memory_space<vmem>>) dst(%dma_wait3A_24 : memref<512x32xf32, #tpu.memory_space<hbm>>)
      tpu.yield
    }) : () -> ()
    return
  }
}

module attributes {stable_mosaic.version = 14 : i64} {
  func.func @_argmin_block(%arg0: i32, %arg1: memref<1024x32xf32, #tpu.memory_space<vmem>>, %arg2: memref<32x8192xf32, #tpu.memory_space<vmem>>, %arg3: memref<1x1x1024xi32, #tpu.memory_space<vmem>>, %arg4: memref<1x8192xf32, #tpu.memory_space<vmem>>) attributes {dimension_semantics = [#tpu.dimension_semantics<arbitrary>], iteration_bounds = array<i64: 32>, scalar_prefetch = 0 : i64, scratch_operands = 1 : i64, tpu.core_type = #tpu.core_type<tc>, window_params = [{transform_indices = @transform_0, window_bounds = array<i64: 1024, 32>}, {pipeline_mode = #tpu.pipeline_mode<synchronous>, transform_indices = @transform_1, window_bounds = array<i64: 32, 8192>}, {transform_indices = @transform_2, window_bounds = array<i64: 1, 1, 1024>}]} {
    %eq3A = arith.constant 0 : i32
    %eq3A_0 = arith.cmpi eq, %arg0, %eq3A : i32
    %convert_element_type3A = arith.extui %eq3A_0 : i1 to i32
    %cond3A = arith.constant 0 : i32
    %cond3A_1 = arith.cmpi ne, %convert_element_type3A, %cond3A : i32
    scf.if %cond3A_1 {
      %get3A_605 = arith.constant 0 : index
      %get3A_606 = arith.constant 0 : index
      %get3A_607 = vector.load %arg2[%get3A_605, %get3A_606] : memref<32x8192xf32, #tpu.memory_space<vmem>>, vector<32x8192xf32>
      %mul3A_608 = arith.mulf %get3A_607, %get3A_607 : vector<32x8192xf32>
      %slice3A_609 = vector.extract_strided_slice %mul3A_608 {offsets = [0, 0], sizes = [8, 8192], strides = [1, 1]} : vector<32x8192xf32> to vector<8x8192xf32>
      %slice3A_610 = vector.extract_strided_slice %mul3A_608 {offsets = [8, 0], sizes = [8, 8192], strides = [1, 1]} : vector<32x8192xf32> to vector<8x8192xf32>
      %add3A_611 = arith.addf %slice3A_609, %slice3A_610 : vector<8x8192xf32>
      %slice3A_612 = vector.extract_strided_slice %mul3A_608 {offsets = [16, 0], sizes = [8, 8192], strides = [1, 1]} : vector<32x8192xf32> to vector<8x8192xf32>
      %add3A_613 = arith.addf %add3A_611, %slice3A_612 : vector<8x8192xf32>
      %slice3A_614 = vector.extract_strided_slice %mul3A_608 {offsets = [24, 0], sizes = [8, 8192], strides = [1, 1]} : vector<32x8192xf32> to vector<8x8192xf32>
      %add3A_615 = arith.addf %add3A_613, %slice3A_614 : vector<8x8192xf32>
      %slice3A_616 = vector.extract_strided_slice %add3A_615 {offsets = [0, 0], sizes = [4, 8192], strides = [1, 1]} : vector<8x8192xf32> to vector<4x8192xf32>
      %slice3A_617 = vector.extract_strided_slice %add3A_615 {offsets = [4, 0], sizes = [4, 8192], strides = [1, 1]} : vector<8x8192xf32> to vector<4x8192xf32>
      %add3A_618 = arith.addf %slice3A_616, %slice3A_617 : vector<4x8192xf32>
      %slice3A_619 = vector.extract_strided_slice %add3A_618 {offsets = [0, 0], sizes = [2, 8192], strides = [1, 1]} : vector<4x8192xf32> to vector<2x8192xf32>
      %slice3A_620 = vector.extract_strided_slice %add3A_618 {offsets = [2, 0], sizes = [2, 8192], strides = [1, 1]} : vector<4x8192xf32> to vector<2x8192xf32>
      %add3A_621 = arith.addf %slice3A_619, %slice3A_620 : vector<2x8192xf32>
      %slice3A_622 = vector.extract_strided_slice %add3A_621 {offsets = [0, 0], sizes = [1, 8192], strides = [1, 1]} : vector<2x8192xf32> to vector<1x8192xf32>
      %slice3A_623 = vector.extract_strided_slice %add3A_621 {offsets = [1, 0], sizes = [1, 8192], strides = [1, 1]} : vector<2x8192xf32> to vector<1x8192xf32>
      %add3A_624 = arith.addf %slice3A_622, %slice3A_623 : vector<1x8192xf32>
      %swap3A_625 = arith.constant 0 : index
      %swap3A_626 = arith.constant 0 : index
      %swap3A_627 = vector.load %arg4[%swap3A_625, %swap3A_626] : memref<1x8192xf32, #tpu.memory_space<vmem>>, vector<1x8192xf32>
      tpu.vector_store %arg4[%swap3A_625, %swap3A_626], %add3A_624 {strides = array<i32>} : memref<1x8192xf32, #tpu.memory_space<vmem>>, vector<1x8192xf32>,
    } else {
    }
    %get3A = arith.constant 0 : index
    %get3A_2 = arith.constant 0 : index
    %get3A_3 = vector.load %arg1[%get3A, %get3A_2] : memref<1024x32xf32, #tpu.memory_space<vmem>>, vector<1024x32xf32>
    %mul3A = arith.mulf %get3A_3, %get3A_3 : vector<1024x32xf32>
    %slice3A = vector.extract_strided_slice %mul3A {offsets = [0, 0], sizes = [1024, 8], strides = [1, 1]} : vector<1024x32xf32> to vector<1024x8xf32>
    %slice3A_4 = vector.extract_strided_slice %mul3A {offsets = [0, 8], sizes = [1024, 8], strides = [1, 1]} : vector<1024x32xf32> to vector<1024x8xf32>
    %add3A = arith.addf %slice3A, %slice3A_4 : vector<1024x8xf32>
    %slice3A_5 = vector.extract_strided_slice %mul3A {offsets = [0, 16], sizes = [1024, 8], strides = [1, 1]} : vector<1024x32xf32> to vector<1024x8xf32>
    %add3A_6 = arith.addf %add3A, %slice3A_5 : vector<1024x8xf32>
    %slice3A_7 = vector.extract_strided_slice %mul3A {offsets = [0, 24], sizes = [1024, 8], strides = [1, 1]} : vector<1024x32xf32> to vector<1024x8xf32>
    %add3A_8 = arith.addf %add3A_6, %slice3A_7 : vector<1024x8xf32>
    %slice3A_9 = vector.extract_strided_slice %add3A_8 {offsets = [0, 0], sizes = [1024, 4], strides = [1, 1]} : vector<1024x8xf32> to vector<1024x4xf32>
    %slice3A_10 = vector.extract_strided_slice %add3A_8 {offsets = [0, 4], sizes = [1024, 4], strides = [1, 1]} : vector<1024x8xf32> to vector<1024x4xf32>
    %add3A_11 = arith.addf %slice3A_9, %slice3A_10 : vector<1024x4xf32>
    %slice3A_12 = vector.extract_strided_slice %add3A_11 {offsets = [0, 0], sizes = [1024, 2], strides = [1, 1]} : vector<1024x4xf32> to vector<1024x2xf32>
    %slice3A_13 = vector.extract_strided_slice %add3A_11 {offsets = [0, 2], sizes = [1024, 2], strides = [1, 1]} : vector<1024x4xf32> to vector<1024x2xf32>
    %add3A_14 = arith.addf %slice3A_12, %slice3A_13 : vector<1024x2xf32>
    %slice3A_15 = vector.extract_strided_slice %add3A_14 {offsets = [0, 0], sizes = [1024, 1], strides = [1, 1]} : vector<1024x2xf32> to vector<1024x1xf32>
    %slice3A_16 = vector.extract_strided_slice %add3A_14 {offsets = [0, 1], sizes = [1024, 1], strides = [1, 1]} : vector<1024x2xf32> to vector<1024x1xf32>
    %add3A_17 = arith.addf %slice3A_15, %slice3A_16 : vector<1024x1xf32>
    %mul3A_18 = arith.constant 2.000000e+00 : f32
    %mul3A_19 = vector.broadcast %mul3A_18 : f32 to vector<1024x32xf32>
    %mul3A_20 = arith.mulf %get3A_3, %mul3A_19 : vector<1024x32xf32>
    %broadcast_in_dim3A = arith.constant 0x7F800000 : f32
    %broadcast_in_dim3A_21 = vector.broadcast %broadcast_in_dim3A : f32 to vector<1024x256xf32>
    %broadcast_in_dim3A_22 = arith.constant 0 : i32
    %broadcast_in_dim3A_23 = vector.broadcast %broadcast_in_dim3A_22 : i32 to vector<1024x256xi32>
    %get3A_24 = arith.constant 0 : index
    %get3A_25 = arith.constant 0 : index
    %get3A_26 = vector.load %arg2[%get3A_24, %get3A_25] : memref<32x8192xf32, #tpu.memory_space<vmem>>, vector<32x256xf32>
    %dot_general3A = arith.constant dense<0.000000e+00> : vector<1024x256xf32>
    %dot_general3A_27 = tpu.matmul %mul3A_20, %get3A_26, %dot_general3A {dimension_numbers = #tpu.dot_dimension_numbers<[1], [0], [0], [1], [0, 0, 1, 1], [], []>, transpose_lhs_hint = false} : vector<1024x32xf32>, vector<32x256xf32>, vector<1024x256xf32> -> vector<1024x256xf32>
    %sub3A = vector.broadcast %add3A_17 : vector<1024x1xf32> to vector<1024x256xf32>
    %sub3A_28 = arith.subf %sub3A, %dot_general3A_27 : vector<1024x256xf32>
    %get3A_29 = arith.constant 0 : index
    %get3A_30 = arith.constant 0 : index
    %get3A_31 = vector.load %arg4[%get3A_29, %get3A_30] : memref<1x8192xf32, #tpu.memory_space<vmem>>, vector<1x256xf32>
    %add3A_32 = vector.broadcast %get3A_31 : vector<1x256xf32> to vector<1024x256xf32>
    %add3A_33 = arith.addf %sub3A_28, %add3A_32 : vector<1024x256xf32>
    %lt3A = arith.cmpf olt, %add3A_33, %broadcast_in_dim3A_21 : vector<1024x256xf32>
    %select_n3A = arith.select %lt3A, %add3A_33, %broadcast_in_dim3A_21 : vector<1024x256xi1>, vector<1024x256xf32>
    %jit3A = arith.constant 0 : i32
    %broadcast_in_dim3A_34 = vector.broadcast %jit3A : i32 to vector<1024x256xi32>
    %select_n3A_35 = arith.select %lt3A, %broadcast_in_dim3A_34, %broadcast_in_dim3A_23 : vector<1024x256xi1>, vector<1024x256xi32>
    %get3A_36 = arith.constant 0 : index
    %get3A_37 = arith.constant 256 : index
    %get3A_38 = vector.load %arg2[%get3A_36, %get3A_37] : memref<32x8192xf32, #tpu.memory_space<vmem>>, vector<32x256xf32>
    %dot_general3A_39 = arith.constant dense<0.000000e+00> : vector<1024x256xf32>
    %dot_general3A_40 = tpu.matmul %mul3A_20, %get3A_38, %dot_general3A_39 {dimension_numbers = #tpu.dot_dimension_numbers<[1], [0], [0], [1], [0, 0, 1, 1], [], []>, transpose_lhs_hint = false} : vector<1024x32xf32>, vector<32x256xf32>, vector<1024x256xf32> -> vector<1024x256xf32>
    %sub3A_41 = vector.broadcast %add3A_17 : vector<1024x1xf32> to vector<1024x256xf32>
    %sub3A_42 = arith.subf %sub3A_41, %dot_general3A_40 : vector<1024x256xf32>
    %get3A_43 = arith.constant 0 : index
    %get3A_44 = arith.constant 256 : index
    %get3A_45 = vector.load %arg4[%get3A_43, %get3A_44] : memref<1x8192xf32, #tpu.memory_space<vmem>>, vector<1x256xf32>
    %add3A_46 = vector.broadcast %get3A_45 : vector<1x256xf32> to vector<1024x256xf32>
    %add3A_47 = arith.addf %sub3A_42, %add3A_46 : vector<1024x256xf32>
    %lt3A_48 = arith.cmpf olt, %add3A_47, %select_n3A : vector<1024x256xf32>
    %select_n3A_49 = arith.select %lt3A_48, %add3A_47, %select_n3A : vector<1024x256xi1>, vector<1024x256xf32>
    %jit3A_50 = arith.constant 1 : i32
    %broadcast_in_dim3A_51 = vector.broadcast %jit3A_50 : i32 to vector<1024x256xi32>
    %select_n3A_52 = arith.select %lt3A_48, %broadcast_in_dim3A_51, %select_n3A_35 : vector<1024x256xi1>, vector<1024x256xi32>
    %get3A_53 = arith.constant 0 : index
    %get3A_54 = arith.constant 512 : index
    %get3A_55 = vector.load %arg2[%get3A_53, %get3A_54] : memref<32x8192xf32, #tpu.memory_space<vmem>>, vector<32x256xf32>
    %dot_general3A_56 = arith.constant dense<0.000000e+00> : vector<1024x256xf32>
    %dot_general3A_57 = tpu.matmul %mul3A_20, %get3A_55, %dot_general3A_56 {dimension_numbers = #tpu.dot_dimension_numbers<[1], [0], [0], [1], [0, 0, 1, 1], [], []>, transpose_lhs_hint = false} : vector<1024x32xf32>, vector<32x256xf32>, vector<1024x256xf32> -> vector<1024x256xf32>
    %sub3A_58 = vector.broadcast %add3A_17 : vector<1024x1xf32> to vector<1024x256xf32>
    %sub3A_59 = arith.subf %sub3A_58, %dot_general3A_57 : vector<1024x256xf32>
    %get3A_60 = arith.constant 0 : index
    %get3A_61 = arith.constant 512 : index
    %get3A_62 = vector.load %arg4[%get3A_60, %get3A_61] : memref<1x8192xf32, #tpu.memory_space<vmem>>, vector<1x256xf32>
    %add3A_63 = vector.broadcast %get3A_62 : vector<1x256xf32> to vector<1024x256xf32>
    %add3A_64 = arith.addf %sub3A_59, %add3A_63 : vector<1024x256xf32>
    %lt3A_65 = arith.cmpf olt, %add3A_64, %select_n3A_49 : vector<1024x256xf32>
    %select_n3A_66 = arith.select %lt3A_65, %add3A_64, %select_n3A_49 : vector<1024x256xi1>, vector<1024x256xf32>
    %jit3A_67 = arith.constant 2 : i32
    %broadcast_in_dim3A_68 = vector.broadcast %jit3A_67 : i32 to vector<1024x256xi32>
    %select_n3A_69 = arith.select %lt3A_65, %broadcast_in_dim3A_68, %select_n3A_52 : vector<1024x256xi1>, vector<1024x256xi32>
    %get3A_70 = arith.constant 0 : index
    %get3A_71 = arith.constant 768 : index
    %get3A_72 = vector.load %arg2[%get3A_70, %get3A_71] : memref<32x8192xf32, #tpu.memory_space<vmem>>, vector<32x256xf32>
    %dot_general3A_73 = arith.constant dense<0.000000e+00> : vector<1024x256xf32>
    %dot_general3A_74 = tpu.matmul %mul3A_20, %get3A_72, %dot_general3A_73 {dimension_numbers = #tpu.dot_dimension_numbers<[1], [0], [0], [1], [0, 0, 1, 1], [], []>, transpose_lhs_hint = false} : vector<1024x32xf32>, vector<32x256xf32>, vector<1024x256xf32> -> vector<1024x256xf32>
    %sub3A_75 = vector.broadcast %add3A_17 : vector<1024x1xf32> to vector<1024x256xf32>
    %sub3A_76 = arith.subf %sub3A_75, %dot_general3A_74 : vector<1024x256xf32>
    %get3A_77 = arith.constant 0 : index
    %get3A_78 = arith.constant 768 : index
    %get3A_79 = vector.load %arg4[%get3A_77, %get3A_78] : memref<1x8192xf32, #tpu.memory_space<vmem>>, vector<1x256xf32>
    %add3A_80 = vector.broadcast %get3A_79 : vector<1x256xf32> to vector<1024x256xf32>
    %add3A_81 = arith.addf %sub3A_76, %add3A_80 : vector<1024x256xf32>
    %lt3A_82 = arith.cmpf olt, %add3A_81, %select_n3A_66 : vector<1024x256xf32>
    %select_n3A_83 = arith.select %lt3A_82, %add3A_81, %select_n3A_66 : vector<1024x256xi1>, vector<1024x256xf32>
    %jit3A_84 = arith.constant 3 : i32
    %broadcast_in_dim3A_85 = vector.broadcast %jit3A_84 : i32 to vector<1024x256xi32>
    %select_n3A_86 = arith.select %lt3A_82, %broadcast_in_dim3A_85, %select_n3A_69 : vector<1024x256xi1>, vector<1024x256xi32>
    %get3A_87 = arith.constant 0 : index
    %get3A_88 = arith.constant 1024 : index
    %get3A_89 = vector.load %arg2[%get3A_87, %get3A_88] : memref<32x8192xf32, #tpu.memory_space<vmem>>, vector<32x256xf32>
    %dot_general3A_90 = arith.constant dense<0.000000e+00> : vector<1024x256xf32>
    %dot_general3A_91 = tpu.matmul %mul3A_20, %get3A_89, %dot_general3A_90 {dimension_numbers = #tpu.dot_dimension_numbers<[1], [0], [0], [1], [0, 0, 1, 1], [], []>, transpose_lhs_hint = false} : vector<1024x32xf32>, vector<32x256xf32>, vector<1024x256xf32> -> vector<1024x256xf32>
    %sub3A_92 = vector.broadcast %add3A_17 : vector<1024x1xf32> to vector<1024x256xf32>
    %sub3A_93 = arith.subf %sub3A_92, %dot_general3A_91 : vector<1024x256xf32>
    %get3A_94 = arith.constant 0 : index
    %get3A_95 = arith.constant 1024 : index
    %get3A_96 = vector.load %arg4[%get3A_94, %get3A_95] : memref<1x8192xf32, #tpu.memory_space<vmem>>, vector<1x256xf32>
    %add3A_97 = vector.broadcast %get3A_96 : vector<1x256xf32> to vector<1024x256xf32>
    %add3A_98 = arith.addf %sub3A_93, %add3A_97 : vector<1024x256xf32>
    %lt3A_99 = arith.cmpf olt, %add3A_98, %select_n3A_83 : vector<1024x256xf32>
    %select_n3A_100 = arith.select %lt3A_99, %add3A_98, %select_n3A_83 : vector<1024x256xi1>, vector<1024x256xf32>
    %jit3A_101 = arith.constant 4 : i32
    %broadcast_in_dim3A_102 = vector.broadcast %jit3A_101 : i32 to vector<1024x256xi32>
    %select_n3A_103 = arith.select %lt3A_99, %broadcast_in_dim3A_102, %select_n3A_86 : vector<1024x256xi1>, vector<1024x256xi32>
    %get3A_104 = arith.constant 0 : index
    %get3A_105 = arith.constant 1280 : index
    %get3A_106 = vector.load %arg2[%get3A_104, %get3A_105] : memref<32x8192xf32, #tpu.memory_space<vmem>>, vector<32x256xf32>
    %dot_general3A_107 = arith.constant dense<0.000000e+00> : vector<1024x256xf32>
    %dot_general3A_108 = tpu.matmul %mul3A_20, %get3A_106, %dot_general3A_107 {dimension_numbers = #tpu.dot_dimension_numbers<[1], [0], [0], [1], [0, 0, 1, 1], [], []>, transpose_lhs_hint = false} : vector<1024x32xf32>, vector<32x256xf32>, vector<1024x256xf32> -> vector<1024x256xf32>
    %sub3A_109 = vector.broadcast %add3A_17 : vector<1024x1xf32> to vector<1024x256xf32>
    %sub3A_110 = arith.subf %sub3A_109, %dot_general3A_108 : vector<1024x256xf32>
    %get3A_111 = arith.constant 0 : index
    %get3A_112 = arith.constant 1280 : index
    %get3A_113 = vector.load %arg4[%get3A_111, %get3A_112] : memref<1x8192xf32, #tpu.memory_space<vmem>>, vector<1x256xf32>
    %add3A_114 = vector.broadcast %get3A_113 : vector<1x256xf32> to vector<1024x256xf32>
    %add3A_115 = arith.addf %sub3A_110, %add3A_114 : vector<1024x256xf32>
    %lt3A_116 = arith.cmpf olt, %add3A_115, %select_n3A_100 : vector<1024x256xf32>
    %select_n3A_117 = arith.select %lt3A_116, %add3A_115, %select_n3A_100 : vector<1024x256xi1>, vector<1024x256xf32>
    %jit3A_118 = arith.constant 5 : i32
    %broadcast_in_dim3A_119 = vector.broadcast %jit3A_118 : i32 to vector<1024x256xi32>
    %select_n3A_120 = arith.select %lt3A_116, %broadcast_in_dim3A_119, %select_n3A_103 : vector<1024x256xi1>, vector<1024x256xi32>
    %get3A_121 = arith.constant 0 : index
    %get3A_122 = arith.constant 1536 : index
    %get3A_123 = vector.load %arg2[%get3A_121, %get3A_122] : memref<32x8192xf32, #tpu.memory_space<vmem>>, vector<32x256xf32>
    %dot_general3A_124 = arith.constant dense<0.000000e+00> : vector<1024x256xf32>
    %dot_general3A_125 = tpu.matmul %mul3A_20, %get3A_123, %dot_general3A_124 {dimension_numbers = #tpu.dot_dimension_numbers<[1], [0], [0], [1], [0, 0, 1, 1], [], []>, transpose_lhs_hint = false} : vector<1024x32xf32>, vector<32x256xf32>, vector<1024x256xf32> -> vector<1024x256xf32>
    %sub3A_126 = vector.broadcast %add3A_17 : vector<1024x1xf32> to vector<1024x256xf32>
    %sub3A_127 = arith.subf %sub3A_126, %dot_general3A_125 : vector<1024x256xf32>
    %get3A_128 = arith.constant 0 : index
    %get3A_129 = arith.constant 1536 : index
    %get3A_130 = vector.load %arg4[%get3A_128, %get3A_129] : memref<1x8192xf32, #tpu.memory_space<vmem>>, vector<1x256xf32>
    %add3A_131 = vector.broadcast %get3A_130 : vector<1x256xf32> to vector<1024x256xf32>
    %add3A_132 = arith.addf %sub3A_127, %add3A_131 : vector<1024x256xf32>
    %lt3A_133 = arith.cmpf olt, %add3A_132, %select_n3A_117 : vector<1024x256xf32>
    %select_n3A_134 = arith.select %lt3A_133, %add3A_132, %select_n3A_117 : vector<1024x256xi1>, vector<1024x256xf32>
    %jit3A_135 = arith.constant 6 : i32
    %broadcast_in_dim3A_136 = vector.broadcast %jit3A_135 : i32 to vector<1024x256xi32>
    %select_n3A_137 = arith.select %lt3A_133, %broadcast_in_dim3A_136, %select_n3A_120 : vector<1024x256xi1>, vector<1024x256xi32>
    %get3A_138 = arith.constant 0 : index
    %get3A_139 = arith.constant 1792 : index
    %get3A_140 = vector.load %arg2[%get3A_138, %get3A_139] : memref<32x8192xf32, #tpu.memory_space<vmem>>, vector<32x256xf32>
    %dot_general3A_141 = arith.constant dense<0.000000e+00> : vector<1024x256xf32>
    %dot_general3A_142 = tpu.matmul %mul3A_20, %get3A_140, %dot_general3A_141 {dimension_numbers = #tpu.dot_dimension_numbers<[1], [0], [0], [1], [0, 0, 1, 1], [], []>, transpose_lhs_hint = false} : vector<1024x32xf32>, vector<32x256xf32>, vector<1024x256xf32> -> vector<1024x256xf32>
    %sub3A_143 = vector.broadcast %add3A_17 : vector<1024x1xf32> to vector<1024x256xf32>
    %sub3A_144 = arith.subf %sub3A_143, %dot_general3A_142 : vector<1024x256xf32>
    %get3A_145 = arith.constant 0 : index
    %get3A_146 = arith.constant 1792 : index
    %get3A_147 = vector.load %arg4[%get3A_145, %get3A_146] : memref<1x8192xf32, #tpu.memory_space<vmem>>, vector<1x256xf32>
    %add3A_148 = vector.broadcast %get3A_147 : vector<1x256xf32> to vector<1024x256xf32>
    %add3A_149 = arith.addf %sub3A_144, %add3A_148 : vector<1024x256xf32>
    %lt3A_150 = arith.cmpf olt, %add3A_149, %select_n3A_134 : vector<1024x256xf32>
    %select_n3A_151 = arith.select %lt3A_150, %add3A_149, %select_n3A_134 : vector<1024x256xi1>, vector<1024x256xf32>
    %jit3A_152 = arith.constant 7 : i32
    %broadcast_in_dim3A_153 = vector.broadcast %jit3A_152 : i32 to vector<1024x256xi32>
    %select_n3A_154 = arith.select %lt3A_150, %broadcast_in_dim3A_153, %select_n3A_137 : vector<1024x256xi1>, vector<1024x256xi32>
    %get3A_155 = arith.constant 0 : index
    %get3A_156 = arith.constant 2048 : index
    %get3A_157 = vector.load %arg2[%get3A_155, %get3A_156] : memref<32x8192xf32, #tpu.memory_space<vmem>>, vector<32x256xf32>
    %dot_general3A_158 = arith.constant dense<0.000000e+00> : vector<1024x256xf32>
    %dot_general3A_159 = tpu.matmul %mul3A_20, %get3A_157, %dot_general3A_158 {dimension_numbers = #tpu.dot_dimension_numbers<[1], [0], [0], [1], [0, 0, 1, 1], [], []>, transpose_lhs_hint = false} : vector<1024x32xf32>, vector<32x256xf32>, vector<1024x256xf32> -> vector<1024x256xf32>
    %sub3A_160 = vector.broadcast %add3A_17 : vector<1024x1xf32> to vector<1024x256xf32>
    %sub3A_161 = arith.subf %sub3A_160, %dot_general3A_159 : vector<1024x256xf32>
    %get3A_162 = arith.constant 0 : index
    %get3A_163 = arith.constant 2048 : index
    %get3A_164 = vector.load %arg4[%get3A_162, %get3A_163] : memref<1x8192xf32, #tpu.memory_space<vmem>>, vector<1x256xf32>
    %add3A_165 = vector.broadcast %get3A_164 : vector<1x256xf32> to vector<1024x256xf32>
    %add3A_166 = arith.addf %sub3A_161, %add3A_165 : vector<1024x256xf32>
    %lt3A_167 = arith.cmpf olt, %add3A_166, %select_n3A_151 : vector<1024x256xf32>
    %select_n3A_168 = arith.select %lt3A_167, %add3A_166, %select_n3A_151 : vector<1024x256xi1>, vector<1024x256xf32>
    %jit3A_169 = arith.constant 8 : i32
    %broadcast_in_dim3A_170 = vector.broadcast %jit3A_169 : i32 to vector<1024x256xi32>
    %select_n3A_171 = arith.select %lt3A_167, %broadcast_in_dim3A_170, %select_n3A_154 : vector<1024x256xi1>, vector<1024x256xi32>
    %get3A_172 = arith.constant 0 : index
    %get3A_173 = arith.constant 2304 : index
    %get3A_174 = vector.load %arg2[%get3A_172, %get3A_173] : memref<32x8192xf32, #tpu.memory_space<vmem>>, vector<32x256xf32>
    %dot_general3A_175 = arith.constant dense<0.000000e+00> : vector<1024x256xf32>
    %dot_general3A_176 = tpu.matmul %mul3A_20, %get3A_174, %dot_general3A_175 {dimension_numbers = #tpu.dot_dimension_numbers<[1], [0], [0], [1], [0, 0, 1, 1], [], []>, transpose_lhs_hint = false} : vector<1024x32xf32>, vector<32x256xf32>, vector<1024x256xf32> -> vector<1024x256xf32>
    %sub3A_177 = vector.broadcast %add3A_17 : vector<1024x1xf32> to vector<1024x256xf32>
    %sub3A_178 = arith.subf %sub3A_177, %dot_general3A_176 : vector<1024x256xf32>
    %get3A_179 = arith.constant 0 : index
    %get3A_180 = arith.constant 2304 : index
    %get3A_181 = vector.load %arg4[%get3A_179, %get3A_180] : memref<1x8192xf32, #tpu.memory_space<vmem>>, vector<1x256xf32>
    %add3A_182 = vector.broadcast %get3A_181 : vector<1x256xf32> to vector<1024x256xf32>
    %add3A_183 = arith.addf %sub3A_178, %add3A_182 : vector<1024x256xf32>
    %lt3A_184 = arith.cmpf olt, %add3A_183, %select_n3A_168 : vector<1024x256xf32>
    %select_n3A_185 = arith.select %lt3A_184, %add3A_183, %select_n3A_168 : vector<1024x256xi1>, vector<1024x256xf32>
    %jit3A_186 = arith.constant 9 : i32
    %broadcast_in_dim3A_187 = vector.broadcast %jit3A_186 : i32 to vector<1024x256xi32>
    %select_n3A_188 = arith.select %lt3A_184, %broadcast_in_dim3A_187, %select_n3A_171 : vector<1024x256xi1>, vector<1024x256xi32>
    %get3A_189 = arith.constant 0 : index
    %get3A_190 = arith.constant 2560 : index
    %get3A_191 = vector.load %arg2[%get3A_189, %get3A_190] : memref<32x8192xf32, #tpu.memory_space<vmem>>, vector<32x256xf32>
    %dot_general3A_192 = arith.constant dense<0.000000e+00> : vector<1024x256xf32>
    %dot_general3A_193 = tpu.matmul %mul3A_20, %get3A_191, %dot_general3A_192 {dimension_numbers = #tpu.dot_dimension_numbers<[1], [0], [0], [1], [0, 0, 1, 1], [], []>, transpose_lhs_hint = false} : vector<1024x32xf32>, vector<32x256xf32>, vector<1024x256xf32> -> vector<1024x256xf32>
    %sub3A_194 = vector.broadcast %add3A_17 : vector<1024x1xf32> to vector<1024x256xf32>
    %sub3A_195 = arith.subf %sub3A_194, %dot_general3A_193 : vector<1024x256xf32>
    %get3A_196 = arith.constant 0 : index
    %get3A_197 = arith.constant 2560 : index
    %get3A_198 = vector.load %arg4[%get3A_196, %get3A_197] : memref<1x8192xf32, #tpu.memory_space<vmem>>, vector<1x256xf32>
    %add3A_199 = vector.broadcast %get3A_198 : vector<1x256xf32> to vector<1024x256xf32>
    %add3A_200 = arith.addf %sub3A_195, %add3A_199 : vector<1024x256xf32>
    %lt3A_201 = arith.cmpf olt, %add3A_200, %select_n3A_185 : vector<1024x256xf32>
    %select_n3A_202 = arith.select %lt3A_201, %add3A_200, %select_n3A_185 : vector<1024x256xi1>, vector<1024x256xf32>
    %jit3A_203 = arith.constant 10 : i32
    %broadcast_in_dim3A_204 = vector.broadcast %jit3A_203 : i32 to vector<1024x256xi32>
    %select_n3A_205 = arith.select %lt3A_201, %broadcast_in_dim3A_204, %select_n3A_188 : vector<1024x256xi1>, vector<1024x256xi32>
    %get3A_206 = arith.constant 0 : index
    %get3A_207 = arith.constant 2816 : index
    %get3A_208 = vector.load %arg2[%get3A_206, %get3A_207] : memref<32x8192xf32, #tpu.memory_space<vmem>>, vector<32x256xf32>
    %dot_general3A_209 = arith.constant dense<0.000000e+00> : vector<1024x256xf32>
    %dot_general3A_210 = tpu.matmul %mul3A_20, %get3A_208, %dot_general3A_209 {dimension_numbers = #tpu.dot_dimension_numbers<[1], [0], [0], [1], [0, 0, 1, 1], [], []>, transpose_lhs_hint = false} : vector<1024x32xf32>, vector<32x256xf32>, vector<1024x256xf32> -> vector<1024x256xf32>
    %sub3A_211 = vector.broadcast %add3A_17 : vector<1024x1xf32> to vector<1024x256xf32>
    %sub3A_212 = arith.subf %sub3A_211, %dot_general3A_210 : vector<1024x256xf32>
    %get3A_213 = arith.constant 0 : index
    %get3A_214 = arith.constant 2816 : index
    %get3A_215 = vector.load %arg4[%get3A_213, %get3A_214] : memref<1x8192xf32, #tpu.memory_space<vmem>>, vector<1x256xf32>
    %add3A_216 = vector.broadcast %get3A_215 : vector<1x256xf32> to vector<1024x256xf32>
    %add3A_217 = arith.addf %sub3A_212, %add3A_216 : vector<1024x256xf32>
    %lt3A_218 = arith.cmpf olt, %add3A_217, %select_n3A_202 : vector<1024x256xf32>
    %select_n3A_219 = arith.select %lt3A_218, %add3A_217, %select_n3A_202 : vector<1024x256xi1>, vector<1024x256xf32>
    %jit3A_220 = arith.constant 11 : i32
    %broadcast_in_dim3A_221 = vector.broadcast %jit3A_220 : i32 to vector<1024x256xi32>
    %select_n3A_222 = arith.select %lt3A_218, %broadcast_in_dim3A_221, %select_n3A_205 : vector<1024x256xi1>, vector<1024x256xi32>
    %get3A_223 = arith.constant 0 : index
    %get3A_224 = arith.constant 3072 : index
    %get3A_225 = vector.load %arg2[%get3A_223, %get3A_224] : memref<32x8192xf32, #tpu.memory_space<vmem>>, vector<32x256xf32>
    %dot_general3A_226 = arith.constant dense<0.000000e+00> : vector<1024x256xf32>
    %dot_general3A_227 = tpu.matmul %mul3A_20, %get3A_225, %dot_general3A_226 {dimension_numbers = #tpu.dot_dimension_numbers<[1], [0], [0], [1], [0, 0, 1, 1], [], []>, transpose_lhs_hint = false} : vector<1024x32xf32>, vector<32x256xf32>, vector<1024x256xf32> -> vector<1024x256xf32>
    %sub3A_228 = vector.broadcast %add3A_17 : vector<1024x1xf32> to vector<1024x256xf32>
    %sub3A_229 = arith.subf %sub3A_228, %dot_general3A_227 : vector<1024x256xf32>
    %get3A_230 = arith.constant 0 : index
    %get3A_231 = arith.constant 3072 : index
    %get3A_232 = vector.load %arg4[%get3A_230, %get3A_231] : memref<1x8192xf32, #tpu.memory_space<vmem>>, vector<1x256xf32>
    %add3A_233 = vector.broadcast %get3A_232 : vector<1x256xf32> to vector<1024x256xf32>
    %add3A_234 = arith.addf %sub3A_229, %add3A_233 : vector<1024x256xf32>
    %lt3A_235 = arith.cmpf olt, %add3A_234, %select_n3A_219 : vector<1024x256xf32>
    %select_n3A_236 = arith.select %lt3A_235, %add3A_234, %select_n3A_219 : vector<1024x256xi1>, vector<1024x256xf32>
    %jit3A_237 = arith.constant 12 : i32
    %broadcast_in_dim3A_238 = vector.broadcast %jit3A_237 : i32 to vector<1024x256xi32>
    %select_n3A_239 = arith.select %lt3A_235, %broadcast_in_dim3A_238, %select_n3A_222 : vector<1024x256xi1>, vector<1024x256xi32>
    %get3A_240 = arith.constant 0 : index
    %get3A_241 = arith.constant 3328 : index
    %get3A_242 = vector.load %arg2[%get3A_240, %get3A_241] : memref<32x8192xf32, #tpu.memory_space<vmem>>, vector<32x256xf32>
    %dot_general3A_243 = arith.constant dense<0.000000e+00> : vector<1024x256xf32>
    %dot_general3A_244 = tpu.matmul %mul3A_20, %get3A_242, %dot_general3A_243 {dimension_numbers = #tpu.dot_dimension_numbers<[1], [0], [0], [1], [0, 0, 1, 1], [], []>, transpose_lhs_hint = false} : vector<1024x32xf32>, vector<32x256xf32>, vector<1024x256xf32> -> vector<1024x256xf32>
    %sub3A_245 = vector.broadcast %add3A_17 : vector<1024x1xf32> to vector<1024x256xf32>
    %sub3A_246 = arith.subf %sub3A_245, %dot_general3A_244 : vector<1024x256xf32>
    %get3A_247 = arith.constant 0 : index
    %get3A_248 = arith.constant 3328 : index
    %get3A_249 = vector.load %arg4[%get3A_247, %get3A_248] : memref<1x8192xf32, #tpu.memory_space<vmem>>, vector<1x256xf32>
    %add3A_250 = vector.broadcast %get3A_249 : vector<1x256xf32> to vector<1024x256xf32>
    %add3A_251 = arith.addf %sub3A_246, %add3A_250 : vector<1024x256xf32>
    %lt3A_252 = arith.cmpf olt, %add3A_251, %select_n3A_236 : vector<1024x256xf32>
    %select_n3A_253 = arith.select %lt3A_252, %add3A_251, %select_n3A_236 : vector<1024x256xi1>, vector<1024x256xf32>
    %jit3A_254 = arith.constant 13 : i32
    %broadcast_in_dim3A_255 = vector.broadcast %jit3A_254 : i32 to vector<1024x256xi32>
    %select_n3A_256 = arith.select %lt3A_252, %broadcast_in_dim3A_255, %select_n3A_239 : vector<1024x256xi1>, vector<1024x256xi32>
    %get3A_257 = arith.constant 0 : index
    %get3A_258 = arith.constant 3584 : index
    %get3A_259 = vector.load %arg2[%get3A_257, %get3A_258] : memref<32x8192xf32, #tpu.memory_space<vmem>>, vector<32x256xf32>
    %dot_general3A_260 = arith.constant dense<0.000000e+00> : vector<1024x256xf32>
    %dot_general3A_261 = tpu.matmul %mul3A_20, %get3A_259, %dot_general3A_260 {dimension_numbers = #tpu.dot_dimension_numbers<[1], [0], [0], [1], [0, 0, 1, 1], [], []>, transpose_lhs_hint = false} : vector<1024x32xf32>, vector<32x256xf32>, vector<1024x256xf32> -> vector<1024x256xf32>
    %sub3A_262 = vector.broadcast %add3A_17 : vector<1024x1xf32> to vector<1024x256xf32>
    %sub3A_263 = arith.subf %sub3A_262, %dot_general3A_261 : vector<1024x256xf32>
    %get3A_264 = arith.constant 0 : index
    %get3A_265 = arith.constant 3584 : index
    %get3A_266 = vector.load %arg4[%get3A_264, %get3A_265] : memref<1x8192xf32, #tpu.memory_space<vmem>>, vector<1x256xf32>
    %add3A_267 = vector.broadcast %get3A_266 : vector<1x256xf32> to vector<1024x256xf32>
    %add3A_268 = arith.addf %sub3A_263, %add3A_267 : vector<1024x256xf32>
    %lt3A_269 = arith.cmpf olt, %add3A_268, %select_n3A_253 : vector<1024x256xf32>
    %select_n3A_270 = arith.select %lt3A_269, %add3A_268, %select_n3A_253 : vector<1024x256xi1>, vector<1024x256xf32>
    %jit3A_271 = arith.constant 14 : i32
    %broadcast_in_dim3A_272 = vector.broadcast %jit3A_271 : i32 to vector<1024x256xi32>
    %select_n3A_273 = arith.select %lt3A_269, %broadcast_in_dim3A_272, %select_n3A_256 : vector<1024x256xi1>, vector<1024x256xi32>
    %get3A_274 = arith.constant 0 : index
    %get3A_275 = arith.constant 3840 : index
    %get3A_276 = vector.load %arg2[%get3A_274, %get3A_275] : memref<32x8192xf32, #tpu.memory_space<vmem>>, vector<32x256xf32>
    %dot_general3A_277 = arith.constant dense<0.000000e+00> : vector<1024x256xf32>
    %dot_general3A_278 = tpu.matmul %mul3A_20, %get3A_276, %dot_general3A_277 {dimension_numbers = #tpu.dot_dimension_numbers<[1], [0], [0], [1], [0, 0, 1, 1], [], []>, transpose_lhs_hint = false} : vector<1024x32xf32>, vector<32x256xf32>, vector<1024x256xf32> -> vector<1024x256xf32>
    %sub3A_279 = vector.broadcast %add3A_17 : vector<1024x1xf32> to vector<1024x256xf32>
    %sub3A_280 = arith.subf %sub3A_279, %dot_general3A_278 : vector<1024x256xf32>
    %get3A_281 = arith.constant 0 : index
    %get3A_282 = arith.constant 3840 : index
    %get3A_283 = vector.load %arg4[%get3A_281, %get3A_282] : memref<1x8192xf32, #tpu.memory_space<vmem>>, vector<1x256xf32>
    %add3A_284 = vector.broadcast %get3A_283 : vector<1x256xf32> to vector<1024x256xf32>
    %add3A_285 = arith.addf %sub3A_280, %add3A_284 : vector<1024x256xf32>
    %lt3A_286 = arith.cmpf olt, %add3A_285, %select_n3A_270 : vector<1024x256xf32>
    %select_n3A_287 = arith.select %lt3A_286, %add3A_285, %select_n3A_270 : vector<1024x256xi1>, vector<1024x256xf32>
    %jit3A_288 = arith.constant 15 : i32
    %broadcast_in_dim3A_289 = vector.broadcast %jit3A_288 : i32 to vector<1024x256xi32>
    %select_n3A_290 = arith.select %lt3A_286, %broadcast_in_dim3A_289, %select_n3A_273 : vector<1024x256xi1>, vector<1024x256xi32>
    %reduce_min3A = arith.constant dense<0x7F800000> : vector<1024xf32>
    %reduce_min3A_291 = vector.multi_reduction <minimumf>, %select_n3A_287, %reduce_min3A [1] : vector<1024x256xf32> to vector<1024xf32>
    %broadcast_in_dim3A_292 = vector.shape_cast %reduce_min3A_291 : vector<1024xf32> to vector<1024x1xf32>
    %iota3A = tpu.iota {dimensions = array<i32: 1>} : vector<1024x256xi32>
    %mul3A_293 = arith.constant 256 : i32
    %mul3A_294 = vector.broadcast %mul3A_293 : i32 to vector<1024x256xi32>
    %mul3A_295 = arith.muli %select_n3A_290, %mul3A_294 : vector<1024x256xi32>
    %add3A_296 = arith.addi %mul3A_295, %iota3A : vector<1024x256xi32>
    %eq3A_297 = vector.broadcast %broadcast_in_dim3A_292 : vector<1024x1xf32> to vector<1024x256xf32>
    %eq3A_298 = arith.cmpf oeq, %select_n3A_287, %eq3A_297 : vector<1024x256xf32>
    %jit3A_299 = arith.constant 8192 : i32
    %broadcast_in_dim3A_300 = vector.broadcast %jit3A_299 : i32 to vector<1024x256xi32>
    %select_n3A_301 = arith.select %eq3A_298, %add3A_296, %broadcast_in_dim3A_300 : vector<1024x256xi1>, vector<1024x256xi32>
    %reduce_min3A_302 = arith.constant dense<2147483647> : vector<1024xi32>
    %reduce_min3A_303 = vector.multi_reduction <minsi>, %select_n3A_301, %reduce_min3A_302 [1] : vector<1024x256xi32> to vector<1024xi32>
    %squeeze3A = vector.shape_cast %broadcast_in_dim3A_292 : vector<1024x1xf32> to vector<1024xf32>
    %broadcast_in_dim3A_304 = arith.constant 0x7F800000 : f32
    %broadcast_in_dim3A_305 = vector.broadcast %broadcast_in_dim3A_304 : f32 to vector<1024x256xf32>
    %broadcast_in_dim3A_306 = arith.constant 0 : i32
    %broadcast_in_dim3A_307 = vector.broadcast %broadcast_in_dim3A_306 : i32 to vector<1024x256xi32>
    %get3A_308 = arith.constant 0 : index
    %get3A_309 = arith.constant 4096 : index
    %get3A_310 = vector.load %arg2[%get3A_308, %get3A_309] : memref<32x8192xf32, #tpu.memory_space<vmem>>, vector<32x256xf32>
    %dot_general3A_311 = arith.constant dense<0.000000e+00> : vector<1024x256xf32>
    %dot_general3A_312 = tpu.matmul %mul3A_20, %get3A_310, %dot_general3A_311 {dimension_numbers = #tpu.dot_dimension_numbers<[1], [0], [0], [1], [0, 0, 1, 1], [], []>, transpose_lhs_hint = false} : vector<1024x32xf32>, vector<32x256xf32>, vector<1024x256xf32> -> vector<1024x256xf32>
    %sub3A_313 = vector.broadcast %add3A_17 : vector<1024x1xf32> to vector<1024x256xf32>
    %sub3A_314 = arith.subf %sub3A_313, %dot_general3A_312 : vector<1024x256xf32>
    %get3A_315 = arith.constant 0 : index
    %get3A_316 = arith.constant 4096 : index
    %get3A_317 = vector.load %arg4[%get3A_315, %get3A_316] : memref<1x8192xf32, #tpu.memory_space<vmem>>, vector<1x256xf32>
    %add3A_318 = vector.broadcast %get3A_317 : vector<1x256xf32> to vector<1024x256xf32>
    %add3A_319 = arith.addf %sub3A_314, %add3A_318 : vector<1024x256xf32>
    %lt3A_320 = arith.cmpf olt, %add3A_319, %broadcast_in_dim3A_305 : vector<1024x256xf32>
    %select_n3A_321 = arith.select %lt3A_320, %add3A_319, %broadcast_in_dim3A_305 : vector<1024x256xi1>, vector<1024x256xf32>
    %jit3A_322 = arith.constant 16 : i32
    %broadcast_in_dim3A_323 = vector.broadcast %jit3A_322 : i32 to vector<1024x256xi32>
    %select_n3A_324 = arith.select %lt3A_320, %broadcast_in_dim3A_323, %broadcast_in_dim3A_307 : vector<1024x256xi1>, vector<1024x256xi32>
    %get3A_325 = arith.constant 0 : index
    %get3A_326 = arith.constant 4352 : index
    %get3A_327 = vector.load %arg2[%get3A_325, %get3A_326] : memref<32x8192xf32, #tpu.memory_space<vmem>>, vector<32x256xf32>
    %dot_general3A_328 = arith.constant dense<0.000000e+00> : vector<1024x256xf32>
    %dot_general3A_329 = tpu.matmul %mul3A_20, %get3A_327, %dot_general3A_328 {dimension_numbers = #tpu.dot_dimension_numbers<[1], [0], [0], [1], [0, 0, 1, 1], [], []>, transpose_lhs_hint = false} : vector<1024x32xf32>, vector<32x256xf32>, vector<1024x256xf32> -> vector<1024x256xf32>
    %sub3A_330 = vector.broadcast %add3A_17 : vector<1024x1xf32> to vector<1024x256xf32>
    %sub3A_331 = arith.subf %sub3A_330, %dot_general3A_329 : vector<1024x256xf32>
    %get3A_332 = arith.constant 0 : index
    %get3A_333 = arith.constant 4352 : index
    %get3A_334 = vector.load %arg4[%get3A_332, %get3A_333] : memref<1x8192xf32, #tpu.memory_space<vmem>>, vector<1x256xf32>
    %add3A_335 = vector.broadcast %get3A_334 : vector<1x256xf32> to vector<1024x256xf32>
    %add3A_336 = arith.addf %sub3A_331, %add3A_335 : vector<1024x256xf32>
    %lt3A_337 = arith.cmpf olt, %add3A_336, %select_n3A_321 : vector<1024x256xf32>
    %select_n3A_338 = arith.select %lt3A_337, %add3A_336, %select_n3A_321 : vector<1024x256xi1>, vector<1024x256xf32>
    %jit3A_339 = arith.constant 17 : i32
    %broadcast_in_dim3A_340 = vector.broadcast %jit3A_339 : i32 to vector<1024x256xi32>
    %select_n3A_341 = arith.select %lt3A_337, %broadcast_in_dim3A_340, %select_n3A_324 : vector<1024x256xi1>, vector<1024x256xi32>
    %get3A_342 = arith.constant 0 : index
    %get3A_343 = arith.constant 4608 : index
    %get3A_344 = vector.load %arg2[%get3A_342, %get3A_343] : memref<32x8192xf32, #tpu.memory_space<vmem>>, vector<32x256xf32>
    %dot_general3A_345 = arith.constant dense<0.000000e+00> : vector<1024x256xf32>
    %dot_general3A_346 = tpu.matmul %mul3A_20, %get3A_344, %dot_general3A_345 {dimension_numbers = #tpu.dot_dimension_numbers<[1], [0], [0], [1], [0, 0, 1, 1], [], []>, transpose_lhs_hint = false} : vector<1024x32xf32>, vector<32x256xf32>, vector<1024x256xf32> -> vector<1024x256xf32>
    %sub3A_347 = vector.broadcast %add3A_17 : vector<1024x1xf32> to vector<1024x256xf32>
    %sub3A_348 = arith.subf %sub3A_347, %dot_general3A_346 : vector<1024x256xf32>
    %get3A_349 = arith.constant 0 : index
    %get3A_350 = arith.constant 4608 : index
    %get3A_351 = vector.load %arg4[%get3A_349, %get3A_350] : memref<1x8192xf32, #tpu.memory_space<vmem>>, vector<1x256xf32>
    %add3A_352 = vector.broadcast %get3A_351 : vector<1x256xf32> to vector<1024x256xf32>
    %add3A_353 = arith.addf %sub3A_348, %add3A_352 : vector<1024x256xf32>
    %lt3A_354 = arith.cmpf olt, %add3A_353, %select_n3A_338 : vector<1024x256xf32>
    %select_n3A_355 = arith.select %lt3A_354, %add3A_353, %select_n3A_338 : vector<1024x256xi1>, vector<1024x256xf32>
    %jit3A_356 = arith.constant 18 : i32
    %broadcast_in_dim3A_357 = vector.broadcast %jit3A_356 : i32 to vector<1024x256xi32>
    %select_n3A_358 = arith.select %lt3A_354, %broadcast_in_dim3A_357, %select_n3A_341 : vector<1024x256xi1>, vector<1024x256xi32>
    %get3A_359 = arith.constant 0 : index
    %get3A_360 = arith.constant 4864 : index
    %get3A_361 = vector.load %arg2[%get3A_359, %get3A_360] : memref<32x8192xf32, #tpu.memory_space<vmem>>, vector<32x256xf32>
    %dot_general3A_362 = arith.constant dense<0.000000e+00> : vector<1024x256xf32>
    %dot_general3A_363 = tpu.matmul %mul3A_20, %get3A_361, %dot_general3A_362 {dimension_numbers = #tpu.dot_dimension_numbers<[1], [0], [0], [1], [0, 0, 1, 1], [], []>, transpose_lhs_hint = false} : vector<1024x32xf32>, vector<32x256xf32>, vector<1024x256xf32> -> vector<1024x256xf32>
    %sub3A_364 = vector.broadcast %add3A_17 : vector<1024x1xf32> to vector<1024x256xf32>
    %sub3A_365 = arith.subf %sub3A_364, %dot_general3A_363 : vector<1024x256xf32>
    %get3A_366 = arith.constant 0 : index
    %get3A_367 = arith.constant 4864 : index
    %get3A_368 = vector.load %arg4[%get3A_366, %get3A_367] : memref<1x8192xf32, #tpu.memory_space<vmem>>, vector<1x256xf32>
    %add3A_369 = vector.broadcast %get3A_368 : vector<1x256xf32> to vector<1024x256xf32>
    %add3A_370 = arith.addf %sub3A_365, %add3A_369 : vector<1024x256xf32>
    %lt3A_371 = arith.cmpf olt, %add3A_370, %select_n3A_355 : vector<1024x256xf32>
    %select_n3A_372 = arith.select %lt3A_371, %add3A_370, %select_n3A_355 : vector<1024x256xi1>, vector<1024x256xf32>
    %jit3A_373 = arith.constant 19 : i32
    %broadcast_in_dim3A_374 = vector.broadcast %jit3A_373 : i32 to vector<1024x256xi32>
    %select_n3A_375 = arith.select %lt3A_371, %broadcast_in_dim3A_374, %select_n3A_358 : vector<1024x256xi1>, vector<1024x256xi32>
    %get3A_376 = arith.constant 0 : index
    %get3A_377 = arith.constant 5120 : index
    %get3A_378 = vector.load %arg2[%get3A_376, %get3A_377] : memref<32x8192xf32, #tpu.memory_space<vmem>>, vector<32x256xf32>
    %dot_general3A_379 = arith.constant dense<0.000000e+00> : vector<1024x256xf32>
    %dot_general3A_380 = tpu.matmul %mul3A_20, %get3A_378, %dot_general3A_379 {dimension_numbers = #tpu.dot_dimension_numbers<[1], [0], [0], [1], [0, 0, 1, 1], [], []>, transpose_lhs_hint = false} : vector<1024x32xf32>, vector<32x256xf32>, vector<1024x256xf32> -> vector<1024x256xf32>
    %sub3A_381 = vector.broadcast %add3A_17 : vector<1024x1xf32> to vector<1024x256xf32>
    %sub3A_382 = arith.subf %sub3A_381, %dot_general3A_380 : vector<1024x256xf32>
    %get3A_383 = arith.constant 0 : index
    %get3A_384 = arith.constant 5120 : index
    %get3A_385 = vector.load %arg4[%get3A_383, %get3A_384] : memref<1x8192xf32, #tpu.memory_space<vmem>>, vector<1x256xf32>
    %add3A_386 = vector.broadcast %get3A_385 : vector<1x256xf32> to vector<1024x256xf32>
    %add3A_387 = arith.addf %sub3A_382, %add3A_386 : vector<1024x256xf32>
    %lt3A_388 = arith.cmpf olt, %add3A_387, %select_n3A_372 : vector<1024x256xf32>
    %select_n3A_389 = arith.select %lt3A_388, %add3A_387, %select_n3A_372 : vector<1024x256xi1>, vector<1024x256xf32>
    %jit3A_390 = arith.constant 20 : i32
    %broadcast_in_dim3A_391 = vector.broadcast %jit3A_390 : i32 to vector<1024x256xi32>
    %select_n3A_392 = arith.select %lt3A_388, %broadcast_in_dim3A_391, %select_n3A_375 : vector<1024x256xi1>, vector<1024x256xi32>
    %get3A_393 = arith.constant 0 : index
    %get3A_394 = arith.constant 5376 : index
    %get3A_395 = vector.load %arg2[%get3A_393, %get3A_394] : memref<32x8192xf32, #tpu.memory_space<vmem>>, vector<32x256xf32>
    %dot_general3A_396 = arith.constant dense<0.000000e+00> : vector<1024x256xf32>
    %dot_general3A_397 = tpu.matmul %mul3A_20, %get3A_395, %dot_general3A_396 {dimension_numbers = #tpu.dot_dimension_numbers<[1], [0], [0], [1], [0, 0, 1, 1], [], []>, transpose_lhs_hint = false} : vector<1024x32xf32>, vector<32x256xf32>, vector<1024x256xf32> -> vector<1024x256xf32>
    %sub3A_398 = vector.broadcast %add3A_17 : vector<1024x1xf32> to vector<1024x256xf32>
    %sub3A_399 = arith.subf %sub3A_398, %dot_general3A_397 : vector<1024x256xf32>
    %get3A_400 = arith.constant 0 : index
    %get3A_401 = arith.constant 5376 : index
    %get3A_402 = vector.load %arg4[%get3A_400, %get3A_401] : memref<1x8192xf32, #tpu.memory_space<vmem>>, vector<1x256xf32>
    %add3A_403 = vector.broadcast %get3A_402 : vector<1x256xf32> to vector<1024x256xf32>
    %add3A_404 = arith.addf %sub3A_399, %add3A_403 : vector<1024x256xf32>
    %lt3A_405 = arith.cmpf olt, %add3A_404, %select_n3A_389 : vector<1024x256xf32>
    %select_n3A_406 = arith.select %lt3A_405, %add3A_404, %select_n3A_389 : vector<1024x256xi1>, vector<1024x256xf32>
    %jit3A_407 = arith.constant 21 : i32
    %broadcast_in_dim3A_408 = vector.broadcast %jit3A_407 : i32 to vector<1024x256xi32>
    %select_n3A_409 = arith.select %lt3A_405, %broadcast_in_dim3A_408, %select_n3A_392 : vector<1024x256xi1>, vector<1024x256xi32>
    %get3A_410 = arith.constant 0 : index
    %get3A_411 = arith.constant 5632 : index
    %get3A_412 = vector.load %arg2[%get3A_410, %get3A_411] : memref<32x8192xf32, #tpu.memory_space<vmem>>, vector<32x256xf32>
    %dot_general3A_413 = arith.constant dense<0.000000e+00> : vector<1024x256xf32>
    %dot_general3A_414 = tpu.matmul %mul3A_20, %get3A_412, %dot_general3A_413 {dimension_numbers = #tpu.dot_dimension_numbers<[1], [0], [0], [1], [0, 0, 1, 1], [], []>, transpose_lhs_hint = false} : vector<1024x32xf32>, vector<32x256xf32>, vector<1024x256xf32> -> vector<1024x256xf32>
    %sub3A_415 = vector.broadcast %add3A_17 : vector<1024x1xf32> to vector<1024x256xf32>
    %sub3A_416 = arith.subf %sub3A_415, %dot_general3A_414 : vector<1024x256xf32>
    %get3A_417 = arith.constant 0 : index
    %get3A_418 = arith.constant 5632 : index
    %get3A_419 = vector.load %arg4[%get3A_417, %get3A_418] : memref<1x8192xf32, #tpu.memory_space<vmem>>, vector<1x256xf32>
    %add3A_420 = vector.broadcast %get3A_419 : vector<1x256xf32> to vector<1024x256xf32>
    %add3A_421 = arith.addf %sub3A_416, %add3A_420 : vector<1024x256xf32>
    %lt3A_422 = arith.cmpf olt, %add3A_421, %select_n3A_406 : vector<1024x256xf32>
    %select_n3A_423 = arith.select %lt3A_422, %add3A_421, %select_n3A_406 : vector<1024x256xi1>, vector<1024x256xf32>
    %jit3A_424 = arith.constant 22 : i32
    %broadcast_in_dim3A_425 = vector.broadcast %jit3A_424 : i32 to vector<1024x256xi32>
    %select_n3A_426 = arith.select %lt3A_422, %broadcast_in_dim3A_425, %select_n3A_409 : vector<1024x256xi1>, vector<1024x256xi32>
    %get3A_427 = arith.constant 0 : index
    %get3A_428 = arith.constant 5888 : index
    %get3A_429 = vector.load %arg2[%get3A_427, %get3A_428] : memref<32x8192xf32, #tpu.memory_space<vmem>>, vector<32x256xf32>
    %dot_general3A_430 = arith.constant dense<0.000000e+00> : vector<1024x256xf32>
    %dot_general3A_431 = tpu.matmul %mul3A_20, %get3A_429, %dot_general3A_430 {dimension_numbers = #tpu.dot_dimension_numbers<[1], [0], [0], [1], [0, 0, 1, 1], [], []>, transpose_lhs_hint = false} : vector<1024x32xf32>, vector<32x256xf32>, vector<1024x256xf32> -> vector<1024x256xf32>
    %sub3A_432 = vector.broadcast %add3A_17 : vector<1024x1xf32> to vector<1024x256xf32>
    %sub3A_433 = arith.subf %sub3A_432, %dot_general3A_431 : vector<1024x256xf32>
    %get3A_434 = arith.constant 0 : index
    %get3A_435 = arith.constant 5888 : index
    %get3A_436 = vector.load %arg4[%get3A_434, %get3A_435] : memref<1x8192xf32, #tpu.memory_space<vmem>>, vector<1x256xf32>
    %add3A_437 = vector.broadcast %get3A_436 : vector<1x256xf32> to vector<1024x256xf32>
    %add3A_438 = arith.addf %sub3A_433, %add3A_437 : vector<1024x256xf32>
    %lt3A_439 = arith.cmpf olt, %add3A_438, %select_n3A_423 : vector<1024x256xf32>
    %select_n3A_440 = arith.select %lt3A_439, %add3A_438, %select_n3A_423 : vector<1024x256xi1>, vector<1024x256xf32>
    %jit3A_441 = arith.constant 23 : i32
    %broadcast_in_dim3A_442 = vector.broadcast %jit3A_441 : i32 to vector<1024x256xi32>
    %select_n3A_443 = arith.select %lt3A_439, %broadcast_in_dim3A_442, %select_n3A_426 : vector<1024x256xi1>, vector<1024x256xi32>
    %get3A_444 = arith.constant 0 : index
    %get3A_445 = arith.constant 6144 : index
    %get3A_446 = vector.load %arg2[%get3A_444, %get3A_445] : memref<32x8192xf32, #tpu.memory_space<vmem>>, vector<32x256xf32>
    %dot_general3A_447 = arith.constant dense<0.000000e+00> : vector<1024x256xf32>
    %dot_general3A_448 = tpu.matmul %mul3A_20, %get3A_446, %dot_general3A_447 {dimension_numbers = #tpu.dot_dimension_numbers<[1], [0], [0], [1], [0, 0, 1, 1], [], []>, transpose_lhs_hint = false} : vector<1024x32xf32>, vector<32x256xf32>, vector<1024x256xf32> -> vector<1024x256xf32>
    %sub3A_449 = vector.broadcast %add3A_17 : vector<1024x1xf32> to vector<1024x256xf32>
    %sub3A_450 = arith.subf %sub3A_449, %dot_general3A_448 : vector<1024x256xf32>
    %get3A_451 = arith.constant 0 : index
    %get3A_452 = arith.constant 6144 : index
    %get3A_453 = vector.load %arg4[%get3A_451, %get3A_452] : memref<1x8192xf32, #tpu.memory_space<vmem>>, vector<1x256xf32>
    %add3A_454 = vector.broadcast %get3A_453 : vector<1x256xf32> to vector<1024x256xf32>
    %add3A_455 = arith.addf %sub3A_450, %add3A_454 : vector<1024x256xf32>
    %lt3A_456 = arith.cmpf olt, %add3A_455, %select_n3A_440 : vector<1024x256xf32>
    %select_n3A_457 = arith.select %lt3A_456, %add3A_455, %select_n3A_440 : vector<1024x256xi1>, vector<1024x256xf32>
    %jit3A_458 = arith.constant 24 : i32
    %broadcast_in_dim3A_459 = vector.broadcast %jit3A_458 : i32 to vector<1024x256xi32>
    %select_n3A_460 = arith.select %lt3A_456, %broadcast_in_dim3A_459, %select_n3A_443 : vector<1024x256xi1>, vector<1024x256xi32>
    %get3A_461 = arith.constant 0 : index
    %get3A_462 = arith.constant 6400 : index
    %get3A_463 = vector.load %arg2[%get3A_461, %get3A_462] : memref<32x8192xf32, #tpu.memory_space<vmem>>, vector<32x256xf32>
    %dot_general3A_464 = arith.constant dense<0.000000e+00> : vector<1024x256xf32>
    %dot_general3A_465 = tpu.matmul %mul3A_20, %get3A_463, %dot_general3A_464 {dimension_numbers = #tpu.dot_dimension_numbers<[1], [0], [0], [1], [0, 0, 1, 1], [], []>, transpose_lhs_hint = false} : vector<1024x32xf32>, vector<32x256xf32>, vector<1024x256xf32> -> vector<1024x256xf32>
    %sub3A_466 = vector.broadcast %add3A_17 : vector<1024x1xf32> to vector<1024x256xf32>
    %sub3A_467 = arith.subf %sub3A_466, %dot_general3A_465 : vector<1024x256xf32>
    %get3A_468 = arith.constant 0 : index
    %get3A_469 = arith.constant 6400 : index
    %get3A_470 = vector.load %arg4[%get3A_468, %get3A_469] : memref<1x8192xf32, #tpu.memory_space<vmem>>, vector<1x256xf32>
    %add3A_471 = vector.broadcast %get3A_470 : vector<1x256xf32> to vector<1024x256xf32>
    %add3A_472 = arith.addf %sub3A_467, %add3A_471 : vector<1024x256xf32>
    %lt3A_473 = arith.cmpf olt, %add3A_472, %select_n3A_457 : vector<1024x256xf32>
    %select_n3A_474 = arith.select %lt3A_473, %add3A_472, %select_n3A_457 : vector<1024x256xi1>, vector<1024x256xf32>
    %jit3A_475 = arith.constant 25 : i32
    %broadcast_in_dim3A_476 = vector.broadcast %jit3A_475 : i32 to vector<1024x256xi32>
    %select_n3A_477 = arith.select %lt3A_473, %broadcast_in_dim3A_476, %select_n3A_460 : vector<1024x256xi1>, vector<1024x256xi32>
    %get3A_478 = arith.constant 0 : index
    %get3A_479 = arith.constant 6656 : index
    %get3A_480 = vector.load %arg2[%get3A_478, %get3A_479] : memref<32x8192xf32, #tpu.memory_space<vmem>>, vector<32x256xf32>
    %dot_general3A_481 = arith.constant dense<0.000000e+00> : vector<1024x256xf32>
    %dot_general3A_482 = tpu.matmul %mul3A_20, %get3A_480, %dot_general3A_481 {dimension_numbers = #tpu.dot_dimension_numbers<[1], [0], [0], [1], [0, 0, 1, 1], [], []>, transpose_lhs_hint = false} : vector<1024x32xf32>, vector<32x256xf32>, vector<1024x256xf32> -> vector<1024x256xf32>
    %sub3A_483 = vector.broadcast %add3A_17 : vector<1024x1xf32> to vector<1024x256xf32>
    %sub3A_484 = arith.subf %sub3A_483, %dot_general3A_482 : vector<1024x256xf32>
    %get3A_485 = arith.constant 0 : index
    %get3A_486 = arith.constant 6656 : index
    %get3A_487 = vector.load %arg4[%get3A_485, %get3A_486] : memref<1x8192xf32, #tpu.memory_space<vmem>>, vector<1x256xf32>
    %add3A_488 = vector.broadcast %get3A_487 : vector<1x256xf32> to vector<1024x256xf32>
    %add3A_489 = arith.addf %sub3A_484, %add3A_488 : vector<1024x256xf32>
    %lt3A_490 = arith.cmpf olt, %add3A_489, %select_n3A_474 : vector<1024x256xf32>
    %select_n3A_491 = arith.select %lt3A_490, %add3A_489, %select_n3A_474 : vector<1024x256xi1>, vector<1024x256xf32>
    %jit3A_492 = arith.constant 26 : i32
    %broadcast_in_dim3A_493 = vector.broadcast %jit3A_492 : i32 to vector<1024x256xi32>
    %select_n3A_494 = arith.select %lt3A_490, %broadcast_in_dim3A_493, %select_n3A_477 : vector<1024x256xi1>, vector<1024x256xi32>
    %get3A_495 = arith.constant 0 : index
    %get3A_496 = arith.constant 6912 : index
    %get3A_497 = vector.load %arg2[%get3A_495, %get3A_496] : memref<32x8192xf32, #tpu.memory_space<vmem>>, vector<32x256xf32>
    %dot_general3A_498 = arith.constant dense<0.000000e+00> : vector<1024x256xf32>
    %dot_general3A_499 = tpu.matmul %mul3A_20, %get3A_497, %dot_general3A_498 {dimension_numbers = #tpu.dot_dimension_numbers<[1], [0], [0], [1], [0, 0, 1, 1], [], []>, transpose_lhs_hint = false} : vector<1024x32xf32>, vector<32x256xf32>, vector<1024x256xf32> -> vector<1024x256xf32>
    %sub3A_500 = vector.broadcast %add3A_17 : vector<1024x1xf32> to vector<1024x256xf32>
    %sub3A_501 = arith.subf %sub3A_500, %dot_general3A_499 : vector<1024x256xf32>
    %get3A_502 = arith.constant 0 : index
    %get3A_503 = arith.constant 6912 : index
    %get3A_504 = vector.load %arg4[%get3A_502, %get3A_503] : memref<1x8192xf32, #tpu.memory_space<vmem>>, vector<1x256xf32>
    %add3A_505 = vector.broadcast %get3A_504 : vector<1x256xf32> to vector<1024x256xf32>
    %add3A_506 = arith.addf %sub3A_501, %add3A_505 : vector<1024x256xf32>
    %lt3A_507 = arith.cmpf olt, %add3A_506, %select_n3A_491 : vector<1024x256xf32>
    %select_n3A_508 = arith.select %lt3A_507, %add3A_506, %select_n3A_491 : vector<1024x256xi1>, vector<1024x256xf32>
    %jit3A_509 = arith.constant 27 : i32
    %broadcast_in_dim3A_510 = vector.broadcast %jit3A_509 : i32 to vector<1024x256xi32>
    %select_n3A_511 = arith.select %lt3A_507, %broadcast_in_dim3A_510, %select_n3A_494 : vector<1024x256xi1>, vector<1024x256xi32>
    %get3A_512 = arith.constant 0 : index
    %get3A_513 = arith.constant 7168 : index
    %get3A_514 = vector.load %arg2[%get3A_512, %get3A_513] : memref<32x8192xf32, #tpu.memory_space<vmem>>, vector<32x256xf32>
    %dot_general3A_515 = arith.constant dense<0.000000e+00> : vector<1024x256xf32>
    %dot_general3A_516 = tpu.matmul %mul3A_20, %get3A_514, %dot_general3A_515 {dimension_numbers = #tpu.dot_dimension_numbers<[1], [0], [0], [1], [0, 0, 1, 1], [], []>, transpose_lhs_hint = false} : vector<1024x32xf32>, vector<32x256xf32>, vector<1024x256xf32> -> vector<1024x256xf32>
    %sub3A_517 = vector.broadcast %add3A_17 : vector<1024x1xf32> to vector<1024x256xf32>
    %sub3A_518 = arith.subf %sub3A_517, %dot_general3A_516 : vector<1024x256xf32>
    %get3A_519 = arith.constant 0 : index
    %get3A_520 = arith.constant 7168 : index
    %get3A_521 = vector.load %arg4[%get3A_519, %get3A_520] : memref<1x8192xf32, #tpu.memory_space<vmem>>, vector<1x256xf32>
    %add3A_522 = vector.broadcast %get3A_521 : vector<1x256xf32> to vector<1024x256xf32>
    %add3A_523 = arith.addf %sub3A_518, %add3A_522 : vector<1024x256xf32>
    %lt3A_524 = arith.cmpf olt, %add3A_523, %select_n3A_508 : vector<1024x256xf32>
    %select_n3A_525 = arith.select %lt3A_524, %add3A_523, %select_n3A_508 : vector<1024x256xi1>, vector<1024x256xf32>
    %jit3A_526 = arith.constant 28 : i32
    %broadcast_in_dim3A_527 = vector.broadcast %jit3A_526 : i32 to vector<1024x256xi32>
    %select_n3A_528 = arith.select %lt3A_524, %broadcast_in_dim3A_527, %select_n3A_511 : vector<1024x256xi1>, vector<1024x256xi32>
    %get3A_529 = arith.constant 0 : index
    %get3A_530 = arith.constant 7424 : index
    %get3A_531 = vector.load %arg2[%get3A_529, %get3A_530] : memref<32x8192xf32, #tpu.memory_space<vmem>>, vector<32x256xf32>
    %dot_general3A_532 = arith.constant dense<0.000000e+00> : vector<1024x256xf32>
    %dot_general3A_533 = tpu.matmul %mul3A_20, %get3A_531, %dot_general3A_532 {dimension_numbers = #tpu.dot_dimension_numbers<[1], [0], [0], [1], [0, 0, 1, 1], [], []>, transpose_lhs_hint = false} : vector<1024x32xf32>, vector<32x256xf32>, vector<1024x256xf32> -> vector<1024x256xf32>
    %sub3A_534 = vector.broadcast %add3A_17 : vector<1024x1xf32> to vector<1024x256xf32>
    %sub3A_535 = arith.subf %sub3A_534, %dot_general3A_533 : vector<1024x256xf32>
    %get3A_536 = arith.constant 0 : index
    %get3A_537 = arith.constant 7424 : index
    %get3A_538 = vector.load %arg4[%get3A_536, %get3A_537] : memref<1x8192xf32, #tpu.memory_space<vmem>>, vector<1x256xf32>
    %add3A_539 = vector.broadcast %get3A_538 : vector<1x256xf32> to vector<1024x256xf32>
    %add3A_540 = arith.addf %sub3A_535, %add3A_539 : vector<1024x256xf32>
    %lt3A_541 = arith.cmpf olt, %add3A_540, %select_n3A_525 : vector<1024x256xf32>
    %select_n3A_542 = arith.select %lt3A_541, %add3A_540, %select_n3A_525 : vector<1024x256xi1>, vector<1024x256xf32>
    %jit3A_543 = arith.constant 29 : i32
    %broadcast_in_dim3A_544 = vector.broadcast %jit3A_543 : i32 to vector<1024x256xi32>
    %select_n3A_545 = arith.select %lt3A_541, %broadcast_in_dim3A_544, %select_n3A_528 : vector<1024x256xi1>, vector<1024x256xi32>
    %get3A_546 = arith.constant 0 : index
    %get3A_547 = arith.constant 7680 : index
    %get3A_548 = vector.load %arg2[%get3A_546, %get3A_547] : memref<32x8192xf32, #tpu.memory_space<vmem>>, vector<32x256xf32>
    %dot_general3A_549 = arith.constant dense<0.000000e+00> : vector<1024x256xf32>
    %dot_general3A_550 = tpu.matmul %mul3A_20, %get3A_548, %dot_general3A_549 {dimension_numbers = #tpu.dot_dimension_numbers<[1], [0], [0], [1], [0, 0, 1, 1], [], []>, transpose_lhs_hint = false} : vector<1024x32xf32>, vector<32x256xf32>, vector<1024x256xf32> -> vector<1024x256xf32>
    %sub3A_551 = vector.broadcast %add3A_17 : vector<1024x1xf32> to vector<1024x256xf32>
    %sub3A_552 = arith.subf %sub3A_551, %dot_general3A_550 : vector<1024x256xf32>
    %get3A_553 = arith.constant 0 : index
    %get3A_554 = arith.constant 7680 : index
    %get3A_555 = vector.load %arg4[%get3A_553, %get3A_554] : memref<1x8192xf32, #tpu.memory_space<vmem>>, vector<1x256xf32>
    %add3A_556 = vector.broadcast %get3A_555 : vector<1x256xf32> to vector<1024x256xf32>
    %add3A_557 = arith.addf %sub3A_552, %add3A_556 : vector<1024x256xf32>
    %lt3A_558 = arith.cmpf olt, %add3A_557, %select_n3A_542 : vector<1024x256xf32>
    %select_n3A_559 = arith.select %lt3A_558, %add3A_557, %select_n3A_542 : vector<1024x256xi1>, vector<1024x256xf32>
    %jit3A_560 = arith.constant 30 : i32
    %broadcast_in_dim3A_561 = vector.broadcast %jit3A_560 : i32 to vector<1024x256xi32>
    %select_n3A_562 = arith.select %lt3A_558, %broadcast_in_dim3A_561, %select_n3A_545 : vector<1024x256xi1>, vector<1024x256xi32>
    %get3A_563 = arith.constant 0 : index
    %get3A_564 = arith.constant 7936 : index
    %get3A_565 = vector.load %arg2[%get3A_563, %get3A_564] : memref<32x8192xf32, #tpu.memory_space<vmem>>, vector<32x256xf32>
    %dot_general3A_566 = arith.constant dense<0.000000e+00> : vector<1024x256xf32>
    %dot_general3A_567 = tpu.matmul %mul3A_20, %get3A_565, %dot_general3A_566 {dimension_numbers = #tpu.dot_dimension_numbers<[1], [0], [0], [1], [0, 0, 1, 1], [], []>, transpose_lhs_hint = false} : vector<1024x32xf32>, vector<32x256xf32>, vector<1024x256xf32> -> vector<1024x256xf32>
    %sub3A_568 = vector.broadcast %add3A_17 : vector<1024x1xf32> to vector<1024x256xf32>
    %sub3A_569 = arith.subf %sub3A_568, %dot_general3A_567 : vector<1024x256xf32>
    %get3A_570 = arith.constant 0 : index
    %get3A_571 = arith.constant 7936 : index
    %get3A_572 = vector.load %arg4[%get3A_570, %get3A_571] : memref<1x8192xf32, #tpu.memory_space<vmem>>, vector<1x256xf32>
    %add3A_573 = vector.broadcast %get3A_572 : vector<1x256xf32> to vector<1024x256xf32>
    %add3A_574 = arith.addf %sub3A_569, %add3A_573 : vector<1024x256xf32>
    %lt3A_575 = arith.cmpf olt, %add3A_574, %select_n3A_559 : vector<1024x256xf32>
    %select_n3A_576 = arith.select %lt3A_575, %add3A_574, %select_n3A_559 : vector<1024x256xi1>, vector<1024x256xf32>
    %jit3A_577 = arith.constant 31 : i32
    %broadcast_in_dim3A_578 = vector.broadcast %jit3A_577 : i32 to vector<1024x256xi32>
    %select_n3A_579 = arith.select %lt3A_575, %broadcast_in_dim3A_578, %select_n3A_562 : vector<1024x256xi1>, vector<1024x256xi32>
    %reduce_min3A_580 = arith.constant dense<0x7F800000> : vector<1024xf32>
    %reduce_min3A_581 = vector.multi_reduction <minimumf>, %select_n3A_576, %reduce_min3A_580 [1] : vector<1024x256xf32> to vector<1024xf32>
    %broadcast_in_dim3A_582 = vector.shape_cast %reduce_min3A_581 : vector<1024xf32> to vector<1024x1xf32>
    %iota3A_583 = tpu.iota {dimensions = array<i32: 1>} : vector<1024x256xi32>
    %mul3A_584 = arith.constant 256 : i32
    %mul3A_585 = vector.broadcast %mul3A_584 : i32 to vector<1024x256xi32>
    %mul3A_586 = arith.muli %select_n3A_579, %mul3A_585 : vector<1024x256xi32>
    %add3A_587 = arith.addi %mul3A_586, %iota3A_583 : vector<1024x256xi32>
    %eq3A_588 = vector.broadcast %broadcast_in_dim3A_582 : vector<1024x1xf32> to vector<1024x256xf32>
    %eq3A_589 = arith.cmpf oeq, %select_n3A_576, %eq3A_588 : vector<1024x256xf32>
    %jit3A_590 = arith.constant 8192 : i32
    %broadcast_in_dim3A_591 = vector.broadcast %jit3A_590 : i32 to vector<1024x256xi32>
    %select_n3A_592 = arith.select %eq3A_589, %add3A_587, %broadcast_in_dim3A_591 : vector<1024x256xi1>, vector<1024x256xi32>
    %reduce_min3A_593 = arith.constant dense<2147483647> : vector<1024xi32>
    %reduce_min3A_594 = vector.multi_reduction <minsi>, %select_n3A_592, %reduce_min3A_593 [1] : vector<1024x256xi32> to vector<1024xi32>
    %squeeze3A_595 = vector.shape_cast %broadcast_in_dim3A_582 : vector<1024x1xf32> to vector<1024xf32>
    %convert_element_type3A_596 = arith.truncf %squeeze3A : vector<1024xf32> to vector<1024xbf16>
    %convert_element_type3A_597 = arith.extf %convert_element_type3A_596 : vector<1024xbf16> to vector<1024xf32>
    %lt3A_598 = arith.cmpf olt, %squeeze3A_595, %convert_element_type3A_597 : vector<1024xf32>
    %eq3A_599 = arith.cmpf oeq, %squeeze3A_595, %convert_element_type3A_597 : vector<1024xf32>
    %lt3A_600 = arith.cmpi slt, %reduce_min3A_594, %reduce_min3A_303 : vector<1024xi32>
    %and3A = arith.andi %eq3A_599, %lt3A_600 : vector<1024xi1>
    %or3A = arith.ori %lt3A_598, %and3A : vector<1024xi1>
    %select_n3A_601 = arith.select %or3A, %reduce_min3A_594, %reduce_min3A_303 : vector<1024xi1>, vector<1024xi32>
    %reshape3A = vector.shape_cast %select_n3A_601 : vector<1024xi32> to vector<1x1x1024xi32>
    %swap3A = arith.constant 0 : index
    %swap3A_602 = arith.constant 0 : index
    %swap3A_603 = arith.constant 0 : index
    %swap3A_604 = vector.load %arg3[%swap3A, %swap3A_602, %swap3A_603] : memref<1x1x1024xi32, #tpu.memory_space<vmem>>, vector<1x1x1024xi32>
    tpu.vector_store %arg3[%swap3A, %swap3A_602, %swap3A_603], %reshape3A {strides = array<i32>} : memref<1x1x1024xi32, #tpu.memory_space<vmem>>, vector<1x1x1024xi32>,
    return
  }
  func.func @transform_0(%arg0: i32) -> (i32, i32) {
    %c0_i32 = arith.constant 0 : i32
    %c0_i32_0 = arith.constant 0 : i32
    return %arg0, %c0_i32 : i32, i32
  }
  func.func @transform_1(%arg0: i32) -> (i32, i32) {
    %c0_i32 = arith.constant 0 : i32
    %c0_i32_0 = arith.constant 0 : i32
    %c0_i32_1 = arith.constant 0 : i32
    return %c0_i32, %c0_i32_0 : i32, i32
  }
  func.func @transform_2(%arg0: i32) -> (i32, i32, i32) {
    %c0_i32 = arith.constant 0 : i32
    %c0_i32_0 = arith.constant 0 : i32
    %c0_i32_1 = arith.constant 0 : i32
    return %arg0, %c0_i32, %c0_i32_0 : i32, i32, i32
  }
}

module attributes {stable_mosaic.version = 14 : i64} {
  func.func @_st_loss_block(%arg0: i32, %arg1: memref<4096x32xf32, #tpu.memory_space<vmem>>, %arg2: memref<4096x32xf32, #tpu.memory_space<vmem>>, %arg3: memref<4096x32xf32, #tpu.memory_space<vmem>>, %arg4: memref<1x1xf32, #tpu.memory_space<vmem>>, %arg5: memref<1x1xf32, #tpu.memory_space<vmem>>) attributes {dimension_semantics = [#tpu.dimension_semantics<arbitrary>], iteration_bounds = array<i64: 8>, scalar_prefetch = 0 : i64, scratch_operands = 1 : i64, tpu.core_type = #tpu.core_type<tc>, window_params = [{transform_indices = @transform_0, window_bounds = array<i64: 4096, 32>}, {transform_indices = @transform_1, window_bounds = array<i64: 4096, 32>}, {transform_indices = @transform_2, window_bounds = array<i64: 4096, 32>}, {pipeline_mode = #tpu.pipeline_mode<synchronous>, transform_indices = @transform_3, window_bounds = array<i64: 1, 1>}]} {
    %eq3A = arith.constant 0 : i32
    %eq3A_0 = arith.cmpi eq, %arg0, %eq3A : i32
    %convert_element_type3A = arith.extui %eq3A_0 : i1 to i32
    %cond3A = arith.constant 0 : i32
    %cond3A_1 = arith.cmpi ne, %convert_element_type3A, %cond3A : i32
    scf.if %cond3A_1 {
      %broadcast_in_dim3A = arith.constant 0.000000e+00 : f32
      %broadcast_in_dim3A_25 = vector.broadcast %broadcast_in_dim3A : f32 to vector<1x1xf32>
      %swap3A_26 = arith.constant 0 : index
      %swap3A_27 = arith.constant 0 : index
      %swap3A_28 = vector.load %arg5[%swap3A_26, %swap3A_27] : memref<1x1xf32, #tpu.memory_space<vmem>>, vector<1x1xf32>
      tpu.vector_store %arg5[%swap3A_26, %swap3A_27], %broadcast_in_dim3A_25 {strides = array<i32>} : memref<1x1xf32, #tpu.memory_space<vmem>>, vector<1x1xf32>,
    } else {
    }
    %get3A = arith.constant 0 : index
    %get3A_2 = arith.constant 0 : index
    %get3A_3 = vector.load %arg1[%get3A, %get3A_2] : memref<4096x32xf32, #tpu.memory_space<vmem>>, vector<4096x32xf32>
    %get3A_4 = arith.constant 0 : index
    %get3A_5 = arith.constant 0 : index
    %get3A_6 = vector.load %arg2[%get3A_4, %get3A_5] : memref<4096x32xf32, #tpu.memory_space<vmem>>, vector<4096x32xf32>
    %sub3A = arith.subf %get3A_6, %get3A_3 : vector<4096x32xf32>
    %add3A = arith.addf %get3A_3, %sub3A : vector<4096x32xf32>
    %swap3A = arith.constant 0 : index
    %swap3A_7 = arith.constant 0 : index
    %swap3A_8 = vector.load %arg3[%swap3A, %swap3A_7] : memref<4096x32xf32, #tpu.memory_space<vmem>>, vector<4096x32xf32>
    tpu.vector_store %arg3[%swap3A, %swap3A_7], %add3A {strides = array<i32>} : memref<4096x32xf32, #tpu.memory_space<vmem>>, vector<4096x32xf32>,
    %get3A_9 = arith.constant 0 : index
    %get3A_10 = arith.constant 0 : index
    %get3A_11 = vector.load %arg5[%get3A_9, %get3A_10] : memref<1x1xf32, #tpu.memory_space<vmem>>, vector<1x1xf32>
    %mul3A = arith.mulf %sub3A, %sub3A : vector<4096x32xf32>
    %reduce_sum3A = vector.shape_cast %mul3A : vector<4096x32xf32> to vector<1x4096x32xf32>
    %reduce_sum3A_12 = arith.constant dense<0.000000e+00> : vector<1xf32>
    %reduce_sum3A_13 = vector.multi_reduction <add>, %reduce_sum3A, %reduce_sum3A_12 [1, 2] : vector<1x4096x32xf32> to vector<1xf32>
    %reduce_sum3A_14 = vector.shape_cast %reduce_sum3A_13 : vector<1xf32> to vector<1x1x1xf32>
    %reduce_sum3A_15 = vector.extract %reduce_sum3A_14[0, 0, 0] : f32 from vector<1x1x1xf32>
    %reshape3A = vector.broadcast %reduce_sum3A_15 : f32 to vector<1x1xf32>
    %add3A_16 = arith.addf %get3A_11, %reshape3A : vector<1x1xf32>
    %swap3A_17 = arith.constant 0 : index
    %swap3A_18 = arith.constant 0 : index
    %swap3A_19 = vector.load %arg5[%swap3A_17, %swap3A_18] : memref<1x1xf32, #tpu.memory_space<vmem>>, vector<1x1xf32>
    tpu.vector_store %arg5[%swap3A_17, %swap3A_18], %add3A_16 {strides = array<i32>} : memref<1x1xf32, #tpu.memory_space<vmem>>, vector<1x1xf32>,
    %eq3A_20 = arith.constant 7 : i32
    %eq3A_21 = arith.cmpi eq, %arg0, %eq3A_20 : i32
    %convert_element_type3A_22 = arith.extui %eq3A_21 : i1 to i32
    %cond3A_23 = arith.constant 0 : i32
    %cond3A_24 = arith.cmpi ne, %convert_element_type3A_22, %cond3A_23 : i32
    scf.if %cond3A_24 {
      %get3A_25 = arith.constant 0 : index
      %get3A_26 = arith.constant 0 : index
      %get3A_27 = vector.load %arg5[%get3A_25, %get3A_26] : memref<1x1xf32, #tpu.memory_space<vmem>>, vector<1x1xf32>
      %swap3A_28 = arith.constant 0 : index
      %swap3A_29 = arith.constant 0 : index
      %swap3A_30 = vector.load %arg4[%swap3A_28, %swap3A_29] : memref<1x1xf32, #tpu.memory_space<vmem>>, vector<1x1xf32>
      tpu.vector_store %arg4[%swap3A_28, %swap3A_29], %get3A_27 {strides = array<i32>} : memref<1x1xf32, #tpu.memory_space<vmem>>, vector<1x1xf32>,
    } else {
    }
    return
  }
  func.func @transform_0(%arg0: i32) -> (i32, i32) {
    %c0_i32 = arith.constant 0 : i32
    %c0_i32_0 = arith.constant 0 : i32
    return %arg0, %c0_i32 : i32, i32
  }
  func.func @transform_1(%arg0: i32) -> (i32, i32) {
    %c0_i32 = arith.constant 0 : i32
    %c0_i32_0 = arith.constant 0 : i32
    return %arg0, %c0_i32 : i32, i32
  }
  func.func @transform_2(%arg0: i32) -> (i32, i32) {
    %c0_i32 = arith.constant 0 : i32
    %c0_i32_0 = arith.constant 0 : i32
    return %arg0, %c0_i32 : i32, i32
  }
  func.func @transform_3(%arg0: i32) -> (i32, i32) {
    %c0_i32 = arith.constant 0 : i32
    %c0_i32_0 = arith.constant 0 : i32
    %c0_i32_1 = arith.constant 0 : i32
    return %c0_i32, %c0_i32_0 : i32, i32
  }
}

</mosaic_0001>

<sc_bundles>
// kernel: kernel.5.cloned.1.call-start
scs
__scs_entry_jumppad:
0x0: {  	(pc) =	sbr.rel $0x88, $3  }
0x1: {  	(tag) =	ssettag $0x0;
	lr =	simm.s32 $0x1  }
0x2: {  	[smem:$0x3F9F] =	sst lr;
	_ =	strace $0xD0000000  }
0x3: {  	_ = 	snop  }
0x4: {  	_ = 	snop  }
0x5: {  	_ = 	snop  }
0x6: {  	_ = 	snop  }
0x7: {  	_ = 	snop  }
__scs_overlays_trampoline_lowered:
0x8: {  	[smem:$0x3FAE] =	sst s0  }
0x9: {  	[smem:$0x3FAF] =	sst s1  }
0xa: {  	[smem:$0x3FB0] =	sst s2  }
0xb: {  	[smem:$0x3FB1] =	sst s3  }
0xc: {  	[smem:$0x3FB2] =	sst s4  }
0xd: {  	[smem:$0x3FB3] =	sst s5  }
0xe: {  	[smem:$0x3FB4] =	sst s6  }
0xf: {  	[smem:$0x3FB5] =	sst s7  }
0x10: {  	[smem:$0x3FB6] =	sst s8  }
0x11: {  	[smem:$0x3FB7] =	sst s9;
	s0 =	simm.s32 @!p0 $0x0  }
0x12: {  	s1 =	sld [smem:$0x3F9D];
	s0 =	simm.s32 @p0 $0x1  }
0x13: {  	[smem:$0x3FB8] =	sst s0;
	s0 =	simm.s32 @!p1 $0x0  }
0x14: {  	s2 =	sld [smem:$0x3F9C];
	s0 =	simm.s32 @p1 $0x1  }
0x15: {  	[smem:$0x3FB9] =	sst s0;
	s0 =	simm.s32 @!p2 $0x0  }
0x16: {  	s3 =	sld [smem:$0x3FDB];
	s0 =	simm.s32 @p2 $0x1  }
0x17: {  	s4 =	simm.s32 $0x1BF5;
	[smem:$0x3FBB] =	sst s0  }
0x18: {  	s0 =	sld [smem:$0x3F9E];
	_ =	swait.ge [sflag:s4], $0x0  }
0x19: {  	s7 =	sld [smem:$0x3F9F]  }
0x1a: {  	s8 =	sadd.s32 $0xFFFFE003, lr  }
0x1b: {  	s9 =	sadd.s32 $0xFFFFFEF7, lr;
	s5 =	simm.s32 $0xFFFFFFFF;
	p2 =	slt.u32 s8, $0xFFFFF086  }
0x1c: {  	p1 =	slt.u32 s9, $0xF7A;
	s5 =	simm.s32 @!p2 $0x0  }
0x1d: {  	s5 =	simm.s32 @p1 $0x1;
	p0 =	seq.s32 s7, s2  }
0x1e: {  	s7 =	smul.u32 @!p0 $0xF7A, s2;
	p2 =	seq.s32 @!p0 s5, $0x0  }
0x1f: {  	s9 =	smul.u32 $0xF7A, s1;
	s8 =	simm.s32 @!p0 $0x1BF5;
	p2 =	por !p2, p0  }
0x20: {  	[sflag:s8] =	ssyncset.s32 @!p0 $0xFFFFF086;
	s6 =	sadd.s32 @!p0 s3, s7;
	s7 =	simm.s32 @!p0 $0x108  }
0x21: {  	s3 =	sadd.s32 s3, s9;
	s6 =	sadd.s32 @!p0 $0x88, s6;
	s7 =	simm.s32 @p2 $0x1082  }
0x22: {  	[simem:s7], [sflag:s8] =	dma.local @!p0 [hbm:s6], $0xF7A  }
0x23: {  	s9 =	sor.u32 $0xD0000000, s2;
	s6 =	simm.s32 $0x108;
	_ =	swait.ge @!p0 [sflag:s8], $0x0  }
0x24: {  	s3 =	sadd.s32 $0x88, s3;
	s6 =	simm.s32 @!p1 $0x1082;
	[sflag:s4] =	ssyncset.s32 $0xFFFFF086  }
0x25: {  	[simem:s6], [sflag:s4] =	dma.local [hbm:s3], $0xF7A  }
0x26: {  	[smem:$0x3F9F] =	sst s1;
	(tag) =	ssettag s2;
	_ =	strace s9  }
0x27: {  	s1 =	sld [smem:$0x3FAF]  }
0x28: {  	s2 =	sld [smem:$0x3FB0]  }
0x29: {  	s4 =	sld [smem:$0x3FB2]  }
0x2a: {  	p0 =	seq.s32 s5, $0x0;
	s5 =	sld [smem:$0x3FB3]  }
0x2b: {  	s6 =	sld [smem:$0x3FB4]  }
0x2c: {  	s7 =	sld [smem:$0x3FB5]  }
0x2d: {  	s3 =	simm.s32 $0x108;
	s8 =	sld [smem:$0x3FB6]  }
0x2e: {  	s3 =	simm.s32 @!p0 $0x1082;
	s9 =	sld [smem:$0x3FB7]  }
0x2f: {  	lr =	sadd.s32 s0, s3;
	s0 =	sld [smem:$0x3FAE]  }
0x30: {  	s3 =	sld [smem:$0x3FB1]  }
0x31: {  	[smem:$0x3FBA] =	sst s10  }
0x32: {  	s10 =	sld [smem:$0x3FB8];
	_ =	sdelay $0x3  }
0x33: {  	p0 =	seq.s32 s10, $0x1;
	s10 =	sld [smem:$0x3FBA];
	_ =	sdelay $0x3  }
0x34: {  	[smem:$0x3FBA] =	sst s10  }
0x35: {  	s10 =	sld [smem:$0x3FB9];
	_ =	sdelay $0x3  }
0x36: {  	p1 =	seq.s32 s10, $0x1;
	s10 =	sld [smem:$0x3FBA];
	_ =	sdelay $0x3  }
0x37: {  	[smem:$0x3FBA] =	sst s10  }
0x38: {  	s10 =	sld [smem:$0x3FBB]  }
0x39: {  	_ = 	snop;
	(pc) =	sbr.ind lr, $3  }
0x3a: {  	_ = 	snop  }
0x3b: {  	_ = 	snop  }
0x3c: {  	p2 =	seq.s32 s10, $0x1;
	s10 =	sld [smem:$0x3FBA]  }
0x3d: {  	_ =	shalt  }
0x3e: {  	_ =	shalt  }
0x3f: {  	_ =	shalt  }
0x40: {  	_ =	shalt  }
0x41: {  	_ =	shalt  }
0x42: {  	_ =	shalt  }
0x43: {  	_ =	shalt  }
0x44: {  	_ =	shalt  }
0x45: {  	_ =	shalt  }
0x46: {  	_ =	shalt  }
0x47: {  	_ =	shalt  }
0x48: {  	_ =	shalt  }
0x49: {  	_ =	shalt  }
0x4a: {  	_ =	shalt  }
0x4b: {  	_ =	shalt  }
0x4c: {  	_ =	shalt  }
0x4d: {  	_ =	shalt  }
0x4e: {  	_ =	shalt  }
0x4f: {  	_ =	shalt  }
0x50: {  	_ =	shalt  }
0x51: {  	_ =	shalt  }
0x52: {  	_ =	shalt  }
0x53: {  	_ =	shalt  }
0x54: {  	_ =	shalt  }
0x55: {  	_ =	shalt  }
0x56: {  	_ =	shalt  }
0x57: {  	_ =	shalt  }
0x58: {  	_ =	shalt  }
0x59: {  	_ =	shalt  }
0x5a: {  	_ =	shalt  }
0x5b: {  	_ =	shalt  }
0x5c: {  	_ =	shalt  }
0x5d: {  	_ =	shalt  }
0x5e: {  	_ =	shalt  }
0x5f: {  	_ =	shalt  }
0x60: {  	_ =	shalt  }
0x61: {  	_ =	shalt  }
0x62: {  	_ =	shalt  }
0x63: {  	_ =	shalt  }
0x64: {  	_ =	shalt  }
0x65: {  	_ =	shalt  }
0x66: {  	_ =	shalt  }
0x67: {  	_ =	shalt  }
0x68: {  	_ =	shalt  }
0x69: {  	_ =	shalt  }
0x6a: {  	_ =	shalt  }
0x6b: {  	_ =	shalt  }
0x6c: {  	_ =	shalt  }
0x6d: {  	_ =	shalt  }
0x6e: {  	_ =	shalt  }
0x6f: {  	_ =	shalt  }
0x70: {  	_ =	shalt  }
0x71: {  	_ =	shalt  }
0x72: {  	_ =	shalt  }
0x73: {  	_ =	shalt  }
0x74: {  	_ =	shalt  }
0x75: {  	_ =	shalt  }
0x76: {  	_ =	shalt  }
0x77: {  	_ =	shalt  }
0x78: {  	_ =	shalt  }
0x79: {  	_ =	shalt  }
0x7a: {  	_ =	shalt  }
0x7b: {  	_ =	shalt  }
0x7c: {  	_ =	shalt  }
0x7d: {  	_ =	shalt  }
0x7e: {  	_ =	shalt  }
0x7f: {  	_ =	shalt  }
0x80: {  	_ =	shalt  }
0x81: {  	_ =	shalt  }
0x82: {  	_ =	shalt  }
0x83: {  	_ =	shalt  }
0x84: {  	_ =	shalt  }
0x85: {  	_ =	shalt  }
0x86: {  	_ =	shalt  }
0x87: {  	_ =	shalt  }
.Lfunc_end0:
.L_simem_size_0:
called_computation_lowered:
.L_overlay_start_0:
0x88: {  	s2 =	sld [smem:$0x3FD9]  }
0x89: {  	s3 =	sld [smem:$0x3FFE];
	_ =	sdelay $0x1  }
0x8a: {  	s1 =	srdreg.scid  }
0x8b: {  	s0 =	sand.u32 $0x1, s1  }
0x8c: {  	s14 =	sshll.u32 s0, $0xA;
	s2 =	sadd.s32 s3, s2  }
0x8d: {  	s2 =	sadd.s32 s2, s14  }
0x8e: {  	[smem:$0x3FC6] =	sst s2  }
0x8f: {  	_ = 	snop  }
0x90: {  	s2 =	sld [smem:$0x3FD0];
	_ =	sdelay $0x2  }
0x91: {  	s15 =	simm.s32 $0xA;
	s4 =	simm.s32 $0x10  }
0x92: {  	[smem:s4], [sflag:s15] =	dma.local [hbm:s2], $0x1  }
0x93: {  	_ =	swait.eq [sflag:s15], $0x1  }
0x94: {  	[sflag:s15] =	ssyncset.done $0x0  }
0x95: {  	[sflag:s15] =	ssyncadd.s32 $0xFFFFFFFF  }
0x96: {  	s16 =	sld [smem:$0x10];
	(tm) =	ssettm $0x1  }
0x97: {  	s17 =	sld [smem:$0x3FFB];
	_ =	sdelay $0x3  }
0x98: {  	_ =	strace s17  }
0x99: {  	s3 =	sld [smem:$0x3FFC];
	_ =	sdelay $0x3  }
0x9a: {  	_ =	strace s3  }
0x9b: {  	s3 =	sld [smem:$0x3FFD];
	_ =	sdelay $0x3  }
0x9c: {  	_ =	strace s3  }
0x9d: {  	_ =	strace $0x8FFFFFFF  }
0x9e: {  	s18 =	sld [smem:$0x3FDB];
	_ =	sdelay $0x1  }
0x9f: {  	s19 =	simm.s32 $_scs_section_size  }
0xa0: {  	s5 =	simm.s32 $_size__tile_overlayer_lowered;
	s6 =	simm.s32 $_tile_overlayer_lowered  }
0xa1: {  	s22 =	simm.s32 $0x1BFF;
	s21 =	sshll.u32 s6, $0x1;
	s3 =	sadd.s32 s19, s18  }
0xa2: {  	s7 =	simm.s32 $0x0;
	s20 =	sshll.u32 s5, $0x1;
	s5 =	sadd.s32 s21, s3  }
0xa3: {  	[timem:s7], [sflag:s22] =	dma.local [hbm:s5], s20  }
0xa4: {  	_ =	swait.ge [sflag:s22], s20  }
0xa5: {  	s4 =	ssub.s32 $0x0, s20;
	[sflag:s22] =	ssyncset.done $0x0  }
0xa6: {  	[sflag:s22] =	ssyncadd.s32 s4;
	_ =	sdelay $0x1  }
0xa7: {  	s23 =	simm.s32 $0x1B8B  }
0xa8: {  	_ =	swait.ge [sflag:s23], $0x1  }
0xa9: {  	[sflag:s23] =	ssyncset.done $0x0  }
0xaa: {  	s25 =	simm.s32 $0x1B8E;
	s24 =	sld [smem:$0x3FFE];
	[sflag:s23] =	ssyncadd.s32 $0xFFFFFFFF  }
0xab: {  	s26 =	simm.s32 $execute0_lowered;
	[smem:$0x3FD2] =	sst s25  }
0xac: {  	s5 =	sshll.u32 s26, $0x1;
	_ =	strace $0x80000046;
	[dreg:$0x1] =	wrdreg $0xFFFFFFFF  }
0xad: {  	s28 =	simm.s32 $_size_execute0_lowered;
	s3 =	sadd.s32 s3, s5;
	[dreg:$0x0] =	wrdreg $0x0  }
0xae: {  	s5 =	sshll.u32 s28, $0x1;
	[dreg:$0x2] =	wrdreg s3  }
0xaf: {  	[dreg:$0x3] =	wrdreg s5  }
0xb0: {  	[dreg:$0x4] =	wrdreg $0xC0  }
0xb1: {  	_ =	task [dreg:s7], $0x5FFFF  }
0xb2: {  	[dreg:$0x1] =	wrdreg $0xFFFFFFFF  }
0xb3: {  	[dreg:$0x0] =	wrdreg $0x60  }
0xb4: {  	[dreg:$0x2] =	wrdreg s24  }
0xb5: {  	[dreg:$0x3] =	wrdreg s16  }
0xb6: {  	[dreg:$0x4] =	wrdreg $0x9  }
0xb7: {  	_ =	task.clear_ibuf [dreg:s7], $0x5FFFF;
	_ =	strace $0x90000046  }
0xb8: {  	s29 =	simm.s32 $0x9;
	_ =	strace $0x80000048  }
0xb9: {  	_ =	swait.ge [sflag:s29], $0x1  }
0xba: {  	[sflag:s29] =	ssyncadd.s32 $0xFFFFFFFF  }
0xbb: {  	_ =	strace $0x90000048  }
0xbc: {  	_ =	sfence  }
0xbd: {  	s30 =	sld [smem:$0x0];
	_ =	sdelay $0x2  }
0xbe: {  	s31 =	sshll.u32 s1, $0xD;
	s1 =	sshrl.u32 s1, $0x2  }
0xbf: {  	s3 =	sand.u32 $0x4000, s31;
	s1 =	sadd.s32 s1, s30  }
0xc0: {  	s0 =	sor.u32 s3, s0;
	s1 =	sshll.u32 s1, $0x11  }
0xc1: {  	s0 =	sor.u32 s1, s0  }
0xc2: {  	s0 =	sadd.s32 $0x8F2B, s0  }
0xc3: {  	[sflag:s0] =	ssyncadd.remote.s32 $0x1  }
0xc4: {  	_ =	sfence.sel $0xFFFF  }
0xc5: {  	[dreg:$0x0] =	wrdreg $0xFFFFFFFF;
	(pc) =	sbr.abs _section_cstart, $3  }
0xc6: {  	[dreg:$0x1] =	wrdreg $0xFFFFFFFF  }
0xc7: {  	_ =	task.clear_ibuf [dreg:s7], $0x2FFFF;
	_ =	strace $0x9FFFFFFF  }
0xc8: {  	(tm) =	ssettm $0x7FFFFFFF  }
0xc9: {  	_ =	shalt  }
tec
execute0_lowered:
.L_overlay_start_1:
0x0: {  	(tag) =	ssettag $0x1  }
0x1: {  	s1 =	srdreg.scid  }
0x2: {  	s5 =	rddreg [dreg:$0x0];
	s0 =	stileid.u32;
	s10 =	sand.u32 $0x1, s1  }
0x3: {  	s11 =	rddreg [dreg:$0x1];
	s3 =	sshll.u32 s0, $0xB;
	s4 =	sshll.u32 s10, $0xA  }
0x4: {  	s2 =	simm.s32 $0x0;
	s1 =	rddreg [dreg:$0x2];
	s9 =	sor.u32 s4, s3  }
0x5: {  	[smem:$0x7FF] =	sst s2;
	s12 =	sadd.s32 $0x88E00, s5;
	s3 =	sshrl.u32 s9, $0x3  }
0x6: {  	_ =	strace $0x80000047;
	s4 =	sadd.s32 s12, s3;
	s3 =	simm.s32 $0x2  }
0x7: {  	[tilespmem:s2], [sflag:$0x2] =	stream.linear.gather [hbm4b:s4+s2], $0x200, $0x38;
	[tilespmem:$0x4200] =	vst v63  }
0x8: {  	_ =	swait.ge [sflag:s3], $0x200  }
0x9: {  	s6 =	simm.s32 $0x200;
	[sflag:s3] =	ssyncset.done $0x0  }
0xa: {  	s7 =	simm.s32 $0x1;
	s5 =	sadd.s32 $0xE00, s5;
	[sflag:s3] =	ssyncadd.s32 $0xFFFFFE00  }
0xb: {  	[tilespmem:s6], [sflag:$0x1] =	stream.indirect.gather [hbm4b:s5+s6], $0x20, s2, s6, $0xb8;
	[tilespmem:$0x4200] =	vst v63  }
0xc: {  	_ =	swait.ge [sflag:s7], $0x4000  }
0xd: {  	s8 =	sshll.u32 s9, $0x2;
	[sflag:s7] =	ssyncset.done $0x0  }
0xe: {  	s8 =	sadd.s32 s11, s8;
	[sflag:s7] =	ssyncadd.s32 $0xFFFFC000  }
0xf: {  	[hbm4b:s8+s2] =	stream.linear.scatter [tilespmem:s6], [sflag:$0x2], $0x4000, $0x38;
	[tilespmem:$0x4200] =	vst v63  }
0x10: {  	s13 =	sor.u32 $0x200, s9;
	_ =	swait.ge [sflag:s3], $0x4000  }
0x11: {  	s9 =	sshrl.u32 s13, $0x3;
	[sflag:s3] =	ssyncset.done $0x0  }
0x12: {  	s10 =	ssub.s32 $0x2, s10;
	s9 =	sadd.s32 s12, s9;
	[sflag:s3] =	ssyncadd.s32 $0xFFFFC000  }
0x13: {  	[tilespmem:s2], [sflag:$0x2] =	stream.linear.gather [hbm4b:s9+s2], $0x200, $0x38;
	[tilespmem:$0x4200] =	vst v63  }
0x14: {  	s29 =	sshrl.u32 s10, $0x1;
	_ =	swait.ge [sflag:s3], $0x200  }
0x15: {  	s12 =	ssub.s32 s10, s29;
	[sflag:s3] =	ssyncset.done $0x0  }
0x16: {  	s31 =	smax.u32 s12, $0x1;
	[sflag:s3] =	ssyncadd.s32 $0xFFFFFE00  }
0x17: {  	[tilespmem:s6], [sflag:$0x1] =	stream.indirect.gather [hbm4b:s5+s6], $0x20, s2, s6, $0xb8;
	[tilespmem:$0x4200] =	vst v63  }
0x18: {  	p0 =	sne.s32 s31, $0x1;
	_ =	swait.ge [sflag:s7], $0x4000  }
.Ltmp0:
0x19: {  	s30 =	sshll.u32 s13, $0x2;
	[sflag:s7] =	ssyncset.done $0x0;
	(pc) =	sbr.rel @!p0 .LBB2_2-.Ltmp0, $4  }
0x1a: {  	s10 =	sadd.s32 s11, s30;
	[sflag:s7] =	ssyncadd.s32 $0xFFFFC000  }
0x1b: {  	[hbm4b:s10+s2] =	stream.linear.scatter [tilespmem:s6], [sflag:$0x2], $0x4000, $0x38;
	[tilespmem:$0x4200] =	vst v63  }
0x1c: {  	_ =	swait.ge [sflag:s3], $0x4000  }
0x1d: {  	s11 =	sadd.s32 $0xFFFFFFFF, s31;
	[sflag:s3] =	ssyncset.done $0x0  }
.LBB2_1:
0x1e: {  	p0 =	sne.s32 s11, $0x1;
	s11 =	sadd.s32 $0xFFFFFFFF, s11;
	[sflag:s3] =	ssyncadd.s32 $0xFFFFC000  }
0x1f: {  	[tilespmem:s2], [sflag:$0x2] =	stream.linear.gather [hbm4b:s4+s2], $0x200, $0x38;
	[tilespmem:$0x4200] =	vst v63  }
0x20: {  	_ =	swait.ge [sflag:s3], $0x200  }
0x21: {  	[sflag:s3] =	ssyncset.done $0x0  }
0x22: {  	[sflag:s3] =	ssyncadd.s32 $0xFFFFFE00  }
0x23: {  	[tilespmem:s6], [sflag:$0x1] =	stream.indirect.gather [hbm4b:s5+s6], $0x20, s2, s6, $0xb8;
	[tilespmem:$0x4200] =	vst v63  }
0x24: {  	_ =	swait.ge [sflag:s7], $0x4000  }
0x25: {  	[sflag:s7] =	ssyncset.done $0x0  }
0x26: {  	[sflag:s7] =	ssyncadd.s32 $0xFFFFC000  }
0x27: {  	[hbm4b:s8+s2] =	stream.linear.scatter [tilespmem:s6], [sflag:$0x2], $0x4000, $0x38;
	[tilespmem:$0x4200] =	vst v63  }
0x28: {  	_ =	swait.ge [sflag:s3], $0x4000  }
0x29: {  	[sflag:s3] =	ssyncset.done $0x0  }
0x2a: {  	[sflag:s3] =	ssyncadd.s32 $0xFFFFC000  }
0x2b: {  	[tilespmem:s2], [sflag:$0x2] =	stream.linear.gather [hbm4b:s9+s2], $0x200, $0x38;
	[tilespmem:$0x4200] =	vst v63  }
0x2c: {  	_ =	swait.ge [sflag:s3], $0x200  }
0x2d: {  	[sflag:s3] =	ssyncset.done $0x0  }
0x2e: {  	[sflag:s3] =	ssyncadd.s32 $0xFFFFFE00  }
0x2f: {  	[tilespmem:s6], [sflag:$0x1] =	stream.indirect.gather [hbm4b:s5+s6], $0x20, s2, s6, $0xb8;
	[tilespmem:$0x4200] =	vst v63  }
0x30: {  	_ =	swait.ge [sflag:s7], $0x4000  }
.Ltmp1:
0x31: {  	[sflag:s7] =	ssyncset.done $0x0;
	(pc) =	sbr.rel @p0 .LBB2_1-.Ltmp1, $4  }
0x32: {  	[sflag:s7] =	ssyncadd.s32 $0xFFFFC000  }
0x33: {  	[hbm4b:s10+s2] =	stream.linear.scatter [tilespmem:s6], [sflag:$0x2], $0x4000, $0x38;
	[tilespmem:$0x4200] =	vst v63  }
0x34: {  	_ =	swait.ge [sflag:s3], $0x4000  }
0x35: {  	[sflag:s3] =	ssyncset.done $0x0  }
.LBB2_2:
0x36: {  	[sflag:s3] =	ssyncadd.s32 $0xFFFFC000  }
0x37: {  	_ =	sfence.sel $0x180000  }
0x38: {  	[bflag:$0x0] =	sbarrier.arrive $0xFFFF  }
0x39: {  	p0 =	sne.s32 s0, $0x0;
	_ =	strace $0x90000047  }
0x3a: {  	s0 =	sadd.s32 @!p0 $0x100000, s1;
	[bflag:$0x2] =	sbarrier.arrive $0xFFFF  }
0x3b: {  	[sflag:s0] =	ssyncadd.tile.s32 @!p0 $0x1;
	_ =	shalt  }
.Lfunc_end2:
_tile_overlayer_lowered:
.L_overlay_start_2:
0x3c: {  	(tag) =	ssettag $0x2  }
0x3d: {  	s0 =	rddreg [dreg:$0x0];
	s2 =	stileid.u32  }
0x3e: {  	s1 =	rddreg [dreg:$0x1];
	p0 =	sne.s32 s2, $0x0  }
0x3f: {  	s3 =	rddreg [dreg:$0x2];
	[bflag:$0x3] =	sbarrier.arrive $0xFFFF;
	s2 =	simm.s32 @!p0 $0x1C02  }
0x40: {  	[timem:s3], [sflag:s2] =	dma.local @!p0 [hbm:s0], s1  }
0x41: {  	s0 =	simm.s32 @!p0 $0x2  }
0x42: {  	_ =	swait.ge @!p0 [sflag:s0], s1  }
0x43: {  	s1 =	ssub.s32 @!p0 $0x0, s1;
	[sflag:s0] =	ssyncset.done @!p0 $0x0  }
0x44: {  	[sflag:s0] =	ssyncadd.s32 @!p0 s1  }
0x45: {  	[bflag:$0x3] =	sbarrier.arrive $0xFFFF  }
0x46: {  	_ =	shalt  }

</sc_bundles>
